<compile_context>
chip_gen: v7x
topology: tpu7x:2x2x1
jax: 0.10.2.dev20260603
libtpu: 0.0.44.dev20260713+nightly
codegen_flags: <defaults>
</compile_context>

<pallas_src>
import functools

import jax
import jax.numpy as jnp
from jax import lax
from jax.experimental import pallas as pl
from jax.experimental.pallas import tpu as pltpu
from jax.experimental.pallas import tpu_sc as plsc

N_NODES = 10000
N_PAD = 10240
N_EDGES = 160000
NUM_GRAPHS = 64
NC, NS = 2, 16
NW = NC * NS
CHUNK = 125
NCH = 40
CROWS = N_EDGES // CHUNK
ZROWS = N_PAD // NS
ZCH = 128

_mesh = lambda: plsc.VectorSubcoreMesh(core_axis_name="c", subcore_axis_name="s")


def _sc_degree(dst2d):

    @functools.partial(
        pl.kernel,
        out_type=jax.ShapeDtypeStruct((NC, N_PAD), jnp.float32),
        mesh=_mesh(),
        compiler_params=pltpu.CompilerParams(use_tc_tiling_on_sc=False),
        scratch_types=(
            pltpu.VMEM((NCH, CHUNK), jnp.int32),
            pltpu.VMEM((128,), jnp.float32),
            pltpu.VMEM((ZROWS,), jnp.float32),
            pltpu.SemaphoreType.DMA,
            pltpu.VMEM_SHARED((N_PAD,), jnp.float32),
        ),
    )
    def deg_kernel(dst_hbm, out_hbm, didx, ones_v, zbuf, sem, deg_sh):
        cid = lax.axis_index("c")
        sid = lax.axis_index("s")
        wid = sid * NC + cid
        zeros16 = jnp.zeros((16,), jnp.float32)
        ones16 = jnp.ones((16,), jnp.float32)

        def zb(i, c):
            zbuf[pl.ds(i * 16, 16)] = zeros16
            return c

        lax.fori_loop(0, ZROWS // 16, zb, 0)

        def ob(i, c):
            ones_v[pl.ds(i * 16, 16)] = ones16
            return c

        lax.fori_loop(0, 128 // 16, ob, 0)
        pltpu.sync_copy(zbuf, deg_sh.at[pl.ds(sid * ZROWS, ZROWS)])
        plsc.subcore_barrier()
        pltpu.sync_copy(dst_hbm.at[pl.ds(wid * NCH, NCH)], didx)

        def ch(i, c):
            pltpu.sync_copy(ones_v.at[pl.ds(0, CHUNK)],
                            deg_sh.at[didx.at[i]], add=True)
            return c

        lax.fori_loop(0, NCH, ch, 0)
        plsc.subcore_barrier()
        pltpu.sync_copy(deg_sh.at[pl.ds(sid * ZROWS, ZROWS)],
                        out_hbm.at[cid, pl.ds(sid * ZROWS, ZROWS)])

    return deg_kernel(dst2d)


def _sc_aggregate(h, src2d, dst2d):
    D = h.shape[1]
    dt = h.dtype
    lanes = 32 if dt == jnp.bfloat16 else 16

    @functools.partial(
        pl.kernel,
        out_type=jax.ShapeDtypeStruct((NC, N_PAD, D), dt),
        mesh=_mesh(),
        compiler_params=pltpu.CompilerParams(use_tc_tiling_on_sc=False),
        scratch_types=(
            pltpu.VMEM((NCH, CHUNK), jnp.int32),
            pltpu.VMEM((NCH, CHUNK), jnp.int32),
            pltpu.VMEM((CHUNK, D), dt),
            pltpu.VMEM((CHUNK, D), dt),
            pltpu.SemaphoreType.DMA,
            pltpu.SemaphoreType.DMA,
            pltpu.VMEM_SHARED((N_PAD, D), dt),
        ),
    )
    def agg_kernel(h_hbm, src_hbm, dst_hbm, out_hbm,
                   sidx, didx, rows_a, rows_b, sem_a, sem_b, acc_sh):
        cid = lax.axis_index("c")
        sid = lax.axis_index("s")
        wid = sid * NC + cid
        zvec = jnp.zeros((lanes,), dt)

        def zb(i, c):
            for j in range(D // lanes):
                rows_a[i, pl.ds(j * lanes, lanes)] = zvec
            return c

        lax.fori_loop(0, CHUNK, zb, 0)
        for k in range(ZROWS // CHUNK):
            pltpu.sync_copy(
                rows_a, acc_sh.at[pl.ds(sid * ZROWS + k * CHUNK, CHUNK)])
        pltpu.sync_copy(
            rows_a.at[pl.ds(0, ZROWS - (ZROWS // CHUNK) * CHUNK)],
            acc_sh.at[pl.ds(sid * ZROWS + (ZROWS // CHUNK) * CHUNK,
                            ZROWS - (ZROWS // CHUNK) * CHUNK)])
        plsc.subcore_barrier()
        r0 = wid * NCH
        pltpu.sync_copy(src_hbm.at[pl.ds(r0, NCH)], sidx)
        pltpu.sync_copy(dst_hbm.at[pl.ds(r0, NCH)], didx)

        def gather_a(j):
            return pltpu.make_async_copy(h_hbm.at[sidx.at[j]], rows_a, sem_a)

        def gather_b(j):
            return pltpu.make_async_copy(h_hbm.at[sidx.at[j]], rows_b, sem_b)

        gather_a(0).start()
        gather_b(1).start()
        npair = NCH // 2

        def body(i, c):
            gather_a(2 * i).wait()
            pltpu.sync_copy(rows_a, acc_sh.at[didx.at[2 * i]], add=True)

            @pl.when(i < npair - 1)
            def _():
                gather_a(2 * i + 2).start()

            gather_b(2 * i + 1).wait()
            pltpu.sync_copy(rows_b, acc_sh.at[didx.at[2 * i + 1]], add=True)

            @pl.when(i < npair - 1)
            def _():
                gather_b(2 * i + 3).start()

            return c

        lax.fori_loop(0, npair, body, 0)
        plsc.subcore_barrier()
        pltpu.sync_copy(acc_sh.at[pl.ds(sid * ZROWS, ZROWS)],
                        out_hbm.at[cid, pl.ds(sid * ZROWS, ZROWS)])

    return agg_kernel(h, src2d, dst2d)


_PREC = lax.Precision.DEFAULT
_RB = 5000


def _tc_dense1(x, W1, dinv2d):
    K, F = x.shape[1], W1.shape[1]

    def body(x_ref, w_ref, dinv_ref, ht_ref):
        h = jnp.dot(x_ref[...], w_ref[...],
                    preferred_element_type=jnp.float32, precision=_PREC)
        ht_ref[...] = h * dinv_ref[...]

    return pl.pallas_call(
        body,
        grid=(N_NODES // _RB,),
        in_specs=[
            pl.BlockSpec((_RB, K), lambda i: (i, 0)),
            pl.BlockSpec((K, F), lambda i: (0, 0)),
            pl.BlockSpec((_RB, 1), lambda i: (i, 0)),
        ],
        out_specs=pl.BlockSpec((_RB, F), lambda i: (i, 0)),
        out_shape=jax.ShapeDtypeStruct((N_NODES, F), jnp.float32),
    )(x, W1, dinv2d)


def _tc_dense2(S1p, ht1, dinv2d, b1, W2):
    K, F = W2.shape

    def body(sp_ref, ht_ref, dinv_ref, b_ref, w_ref, out_ref):
        s = sp_ref[0] + sp_ref[1] + ht_ref[...]
        dinv = dinv_ref[...]
        a = jnp.maximum(s * dinv + b_ref[...], 0.0)
        h2 = jnp.dot(a, w_ref[...],
                     preferred_element_type=jnp.float32, precision=_PREC)
        out_ref[...] = (h2 * dinv).astype(jnp.bfloat16)

    return pl.pallas_call(
        body,
        grid=(N_NODES // _RB,),
        in_specs=[
            pl.BlockSpec((2, _RB, K), lambda i: (0, i, 0)),
            pl.BlockSpec((_RB, K), lambda i: (i, 0)),
            pl.BlockSpec((_RB, 1), lambda i: (i, 0)),
            pl.BlockSpec((1, K), lambda i: (0, 0)),
            pl.BlockSpec((K, F), lambda i: (0, 0)),
        ],
        out_specs=pl.BlockSpec((_RB, F), lambda i: (i, 0)),
        out_shape=jax.ShapeDtypeStruct((N_NODES, F), jnp.bfloat16),
    )(S1p, ht1, dinv2d, b1, W2)


def _tc_final(S2p, ht2, dinv2d, b2, batch_row, Wl, bl):
    def body(sp_ref, ht_ref, dinv_ref, b_ref, batch_ref, wl_ref, bl_ref,
             out_ref):
        s = (sp_ref[0, :N_NODES, :].astype(jnp.float32)
             + sp_ref[1, :N_NODES, :].astype(jnp.float32)
             + ht_ref[...].astype(jnp.float32))
        h = jnp.maximum(s * dinv_ref[...] + b_ref[...], 0.0)
        gids = lax.broadcasted_iota(jnp.int32, (NUM_GRAPHS, N_NODES), 0)
        ohT = (gids == batch_ref[...]).astype(jnp.float32)
        sums = jnp.dot(ohT, h, preferred_element_type=jnp.float32,
                       precision=_PREC)
        counts = jnp.sum(ohT, axis=1, keepdims=True)
        g = sums / jnp.maximum(counts, 1.0)
        out_ref[...] = jnp.dot(g, wl_ref[...],
                               preferred_element_type=jnp.float32,
                               precision=_PREC) + bl_ref[...]

    return pl.pallas_call(
        body,
        out_shape=jax.ShapeDtypeStruct((NUM_GRAPHS, Wl.shape[1]), jnp.float32),
    )(S2p, ht2, dinv2d, b2, batch_row, Wl, bl)


def kernel(x, edge_index, batch, W1, b1, W2, b2, Wl, bl):
    src2d = edge_index[0].astype(jnp.int32).reshape(CROWS, CHUNK)
    dst2d = edge_index[1].astype(jnp.int32).reshape(CROWS, CHUNK)
    batch_row = batch.astype(jnp.int32).reshape(1, N_NODES)
    degp = _sc_degree(dst2d)
    dinv2d = lax.rsqrt(degp[0, :N_NODES] + degp[1, :N_NODES] + 1.0)[:, None]
    ht1 = _tc_dense1(x, W1, dinv2d)
    S1p = _sc_aggregate(ht1, src2d, dst2d)
    ht2 = _tc_dense2(S1p, ht1, dinv2d, b1.reshape(1, -1), W2)
    S2p = _sc_aggregate(ht2, src2d, dst2d)
    return _tc_final(S2p, ht2, dinv2d, b2.reshape(1, -1), batch_row,
                     Wl, bl.reshape(1, -1))

# --- scband reference (transcript-rebuilt; emitter-appended) ---
"""Pipeline reference for scband-gcn-10737418240588 (READ-ONLY COPY).

The authoritative reference and input builder live on the scoring server;
editing this copy changes nothing except your own understanding.
"""

import jax, jax.numpy as jnp
import numpy as np

N_NODES = 10000
N_EDGES = 160000
NUM_GRAPHS = 64


def setup_inputs(seed: int = 0) -> dict:
    key = jax.random.key(seed)
    k = jax.random.split(key, 10)
    x = jax.random.normal(k[0], (N_NODES, 384), dtype=jnp.float32)
    edge_index = jax.random.randint(k[1], (2, N_EDGES), 0, N_NODES, dtype=jnp.int64)
    batch = jnp.sort(jax.random.randint(k[2], (N_NODES,), 0, NUM_GRAPHS, dtype=jnp.int64))
    W1 = jax.random.normal(k[3], (384, 128), dtype=jnp.float32) * (1.0 / np.sqrt(384))
    b1 = jnp.zeros((128,), dtype=jnp.float32)
    W2 = jax.random.normal(k[4], (128, 64), dtype=jnp.float32) * (1.0 / np.sqrt(128))
    b2 = jnp.zeros((64,), dtype=jnp.float32)
    Wl = jax.random.normal(k[5], (64, 2), dtype=jnp.float32) * (1.0 / np.sqrt(64))
    bl = jnp.zeros((2,), dtype=jnp.float32)
    return {"x": x, "edge_index": edge_index, "batch": batch,
            "W1": W1, "b1": b1, "W2": W2, "b2": b2, "Wl": Wl, "bl": bl}


def gcn_conv(x, edge_index, W, b, num_nodes):
    # PyG GCNConv: add self-loops, symmetric normalization, x' = A_norm (x W) + b
    src = edge_index[0]
    dst = edge_index[1]
    loop = jnp.arange(num_nodes, dtype=src.dtype)
    src = jnp.concatenate([src, loop])
    dst = jnp.concatenate([dst, loop])
    deg = jnp.zeros((num_nodes,), dtype=x.dtype).at[dst].add(1.0)
    dinv = jnp.where(deg > 0, deg ** -0.5, 0.0)
    norm = dinv[src] * dinv[dst]
    h = x @ W
    msg = h[src] * norm[:, None]
    out = jnp.zeros((num_nodes, W.shape[1]), dtype=h.dtype).at[dst].add(msg)
    return out + b


def global_mean_pool(x, batch, num_graphs):
    sums = jax.ops.segment_sum(x, batch, num_segments=num_graphs)
    counts = jax.ops.segment_sum(jnp.ones((x.shape[0],), dtype=x.dtype), batch, num_segments=num_graphs)
    return sums / jnp.maximum(counts, 1.0)[:, None]


def reference(x, edge_index, batch, W1, b1, W2, b2, Wl, bl):
    num_nodes = x.shape[0]
    h = gcn_conv(x, edge_index, W1, b1, num_nodes)
    h = jax.nn.relu(h)
    h = gcn_conv(h, edge_index, W2, b2, num_nodes)
    h = jax.nn.relu(h)
    g = global_mean_pool(h, batch, NUM_GRAPHS)
    # dropout is identity in eval / deterministic reference
    return g @ Wl + bl

if __name__ == "__main__":
    import jax
    _d = setup_inputs()
    print(jax.jit(kernel)(*tuple(_d.values())))

</pallas_src>

<mosaic_0001>
#map = affine_map<(d0, d1) -> (0, 0)>
#map1 = affine_map<(d0, d1) -> (0, 0, 0)>
module attributes {stable_mosaic.version = 14 : i64} {
  func.func @agg_kernel(%arg0: i32, %arg1: i32, %arg2: memref<10000x128xf32, #tpu.memory_space<hbm>>, %arg3: memref<1280x125xi32, #tpu.memory_space<hbm>>, %arg4: memref<1280x125xi32, #tpu.memory_space<hbm>>, %arg5: memref<2x10240x128xf32, #tpu.memory_space<hbm>>, %arg6: memref<40x125xi32, #tpu.memory_space<vmem>>, %arg7: memref<40x125xi32, #tpu.memory_space<vmem>>, %arg8: memref<125x128xf32, #tpu.memory_space<vmem>>, %arg9: memref<125x128xf32, #tpu.memory_space<vmem>>, %arg10: memref<!tpu.dma_semaphore, #tpu.memory_space<semaphore_mem>>, %arg11: memref<!tpu.dma_semaphore, #tpu.memory_space<semaphore_mem>>, %arg12: memref<10240x128xf32, #tpu.memory_space<vmem_shared>>) attributes {dimension_semantics = [#tpu.dimension_semantics<core_parallel>, #tpu.dimension_semantics<subcore_parallel>], iteration_bounds = array<i64: 2, 16>, scalar_prefetch = 0 : i64, scratch_operands = 7 : i64, tpu.core_type = #tpu.core_type<sc_vector_subcore>, window_params = [{transform_indices = #map}, {transform_indices = #map}, {transform_indices = #map}, {transform_indices = #map1}]} {
    %mul3A = arith.constant 2 : i32
    %mul3A_0 = arith.muli %arg1, %mul3A : i32
    %add3A = arith.addi %mul3A_0, %arg0 : i32
    %broadcast_in_dim3A = arith.constant 0.000000e+00 : f32
    %broadcast_in_dim3A_1 = vector.broadcast %broadcast_in_dim3A : f32 to vector<16xf32>
    %scan3A = arith.constant 0 : i32
    %scan3A_2 = arith.constant 0 : i32
    %scan3A_3 = arith.constant 125 : i32
    %scan3A_4 = arith.addi %scan3A_2, %scan3A_3 : i32
    %scan3A_5 = arith.constant 1 : i32
    scf.for %scan3A_57 = %scan3A_2 to %scan3A_4 step %scan3A_5  : i32 {
      %swap3A = arith.index_cast %scan3A_57 : i32 to index
      %swap3A_58 = arith.constant 0 : index
      %swap3A_59 = tpu.vector_load %arg8[%swap3A, %swap3A_58] {strides = array<i32>} : memref<125x128xf32, #tpu.memory_space<vmem>>, vector<1x16xf32>,
      %swap3A_60 = vector.shape_cast %swap3A_59 : vector<1x16xf32> to vector<16xf32>
      %swap3A_61 = vector.shape_cast %broadcast_in_dim3A_1 : vector<16xf32> to vector<1x16xf32>
      tpu.vector_store %arg8[%swap3A, %swap3A_58], %swap3A_61 {strides = array<i32>} : memref<125x128xf32, #tpu.memory_space<vmem>>, vector<1x16xf32>,
      %swap3A_62 = arith.index_cast %scan3A_57 : i32 to index
      %swap3A_63 = arith.constant 16 : index
      %swap3A_64 = tpu.vector_load %arg8[%swap3A_62, %swap3A_63] {strides = array<i32>} : memref<125x128xf32, #tpu.memory_space<vmem>>, vector<1x16xf32>,
      %swap3A_65 = vector.shape_cast %swap3A_64 : vector<1x16xf32> to vector<16xf32>
      %swap3A_66 = vector.shape_cast %broadcast_in_dim3A_1 : vector<16xf32> to vector<1x16xf32>
      tpu.vector_store %arg8[%swap3A_62, %swap3A_63], %swap3A_66 {strides = array<i32>} : memref<125x128xf32, #tpu.memory_space<vmem>>, vector<1x16xf32>,
      %swap3A_67 = arith.index_cast %scan3A_57 : i32 to index
      %swap3A_68 = arith.constant 32 : index
      %swap3A_69 = tpu.vector_load %arg8[%swap3A_67, %swap3A_68] {strides = array<i32>} : memref<125x128xf32, #tpu.memory_space<vmem>>, vector<1x16xf32>,
      %swap3A_70 = vector.shape_cast %swap3A_69 : vector<1x16xf32> to vector<16xf32>
      %swap3A_71 = vector.shape_cast %broadcast_in_dim3A_1 : vector<16xf32> to vector<1x16xf32>
      tpu.vector_store %arg8[%swap3A_67, %swap3A_68], %swap3A_71 {strides = array<i32>} : memref<125x128xf32, #tpu.memory_space<vmem>>, vector<1x16xf32>,
      %swap3A_72 = arith.index_cast %scan3A_57 : i32 to index
      %swap3A_73 = arith.constant 48 : index
      %swap3A_74 = tpu.vector_load %arg8[%swap3A_72, %swap3A_73] {strides = array<i32>} : memref<125x128xf32, #tpu.memory_space<vmem>>, vector<1x16xf32>,
      %swap3A_75 = vector.shape_cast %swap3A_74 : vector<1x16xf32> to vector<16xf32>
      %swap3A_76 = vector.shape_cast %broadcast_in_dim3A_1 : vector<16xf32> to vector<1x16xf32>
      tpu.vector_store %arg8[%swap3A_72, %swap3A_73], %swap3A_76 {strides = array<i32>} : memref<125x128xf32, #tpu.memory_space<vmem>>, vector<1x16xf32>,
      %swap3A_77 = arith.index_cast %scan3A_57 : i32 to index
      %swap3A_78 = arith.constant 64 : index
      %swap3A_79 = tpu.vector_load %arg8[%swap3A_77, %swap3A_78] {strides = array<i32>} : memref<125x128xf32, #tpu.memory_space<vmem>>, vector<1x16xf32>,
      %swap3A_80 = vector.shape_cast %swap3A_79 : vector<1x16xf32> to vector<16xf32>
      %swap3A_81 = vector.shape_cast %broadcast_in_dim3A_1 : vector<16xf32> to vector<1x16xf32>
      tpu.vector_store %arg8[%swap3A_77, %swap3A_78], %swap3A_81 {strides = array<i32>} : memref<125x128xf32, #tpu.memory_space<vmem>>, vector<1x16xf32>,
      %swap3A_82 = arith.index_cast %scan3A_57 : i32 to index
      %swap3A_83 = arith.constant 80 : index
      %swap3A_84 = tpu.vector_load %arg8[%swap3A_82, %swap3A_83] {strides = array<i32>} : memref<125x128xf32, #tpu.memory_space<vmem>>, vector<1x16xf32>,
      %swap3A_85 = vector.shape_cast %swap3A_84 : vector<1x16xf32> to vector<16xf32>
      %swap3A_86 = vector.shape_cast %broadcast_in_dim3A_1 : vector<16xf32> to vector<1x16xf32>
      tpu.vector_store %arg8[%swap3A_82, %swap3A_83], %swap3A_86 {strides = array<i32>} : memref<125x128xf32, #tpu.memory_space<vmem>>, vector<1x16xf32>,
      %swap3A_87 = arith.index_cast %scan3A_57 : i32 to index
      %swap3A_88 = arith.constant 96 : index
      %swap3A_89 = tpu.vector_load %arg8[%swap3A_87, %swap3A_88] {strides = array<i32>} : memref<125x128xf32, #tpu.memory_space<vmem>>, vector<1x16xf32>,
      %swap3A_90 = vector.shape_cast %swap3A_89 : vector<1x16xf32> to vector<16xf32>
      %swap3A_91 = vector.shape_cast %broadcast_in_dim3A_1 : vector<16xf32> to vector<1x16xf32>
      tpu.vector_store %arg8[%swap3A_87, %swap3A_88], %swap3A_91 {strides = array<i32>} : memref<125x128xf32, #tpu.memory_space<vmem>>, vector<1x16xf32>,
      %swap3A_92 = arith.index_cast %scan3A_57 : i32 to index
      %swap3A_93 = arith.constant 112 : index
      %swap3A_94 = tpu.vector_load %arg8[%swap3A_92, %swap3A_93] {strides = array<i32>} : memref<125x128xf32, #tpu.memory_space<vmem>>, vector<1x16xf32>,
      %swap3A_95 = vector.shape_cast %swap3A_94 : vector<1x16xf32> to vector<16xf32>
      %swap3A_96 = vector.shape_cast %broadcast_in_dim3A_1 : vector<16xf32> to vector<1x16xf32>
      tpu.vector_store %arg8[%swap3A_92, %swap3A_93], %swap3A_96 {strides = array<i32>} : memref<125x128xf32, #tpu.memory_space<vmem>>, vector<1x16xf32>,
    }
    %scan3A_6 = arith.constant 125 : i32
    %mul3A_7 = arith.constant 640 : i32
    %mul3A_8 = arith.muli %arg1, %mul3A_7 : i32
    %add3A_9 = arith.constant 0 : i32
    %add3A_10 = arith.addi %mul3A_8, %add3A_9 : i32
    "tpu.region"() ({
      %run_scoped3A = tpu.sem_alloc : memref<!tpu.dma_semaphore, #tpu.memory_space<semaphore_mem>>
      %dma_start3A_57 = arith.constant 0 : i32
      %dma_start3A_58 = tpu.memref_slice %arg12[%add3A_10, %dma_start3A_57] : memref<10240x128xf32, #tpu.memory_space<vmem_shared>> -> memref<125x128xf32, #tpu.memory_space<vmem_shared>>
      %dma_start3A_59 = arith.constant 0 : i32
      %dma_start3A_60 = tpu.memref_slice %arg12[%add3A_10, %dma_start3A_59] : memref<10240x128xf32, #tpu.memory_space<vmem_shared>> -> memref<125x128xf32, #tpu.memory_space<vmem_shared>>
      tpu.enqueue_dma source(%arg8 : memref<125x128xf32, #tpu.memory_space<vmem>>) target(%dma_start3A_60 : memref<125x128xf32, #tpu.memory_space<vmem_shared>>) target_semaphore(%run_scoped3A : memref<!tpu.dma_semaphore, #tpu.memory_space<semaphore_mem>>)
      %dma_wait3A = arith.constant 0 : i32
      %dma_wait3A_61 = tpu.memref_slice %arg12[%add3A_10, %dma_wait3A] : memref<10240x128xf32, #tpu.memory_space<vmem_shared>> -> memref<125x128xf32, #tpu.memory_space<vmem_shared>>
      %dma_wait3A_62 = arith.constant 0 : i32
      %dma_wait3A_63 = tpu.memref_slice %arg12[%add3A_10, %dma_wait3A_62] : memref<10240x128xf32, #tpu.memory_space<vmem_shared>> -> memref<125x128xf32, #tpu.memory_space<vmem_shared>>
      tpu.wait_dma2 semaphore(%run_scoped3A : memref<!tpu.dma_semaphore, #tpu.memory_space<semaphore_mem>>) src(%arg8 : memref<125x128xf32, #tpu.memory_space<vmem>>) dst(%dma_wait3A_63 : memref<125x128xf32, #tpu.memory_space<vmem_shared>>)
      tpu.yield
    }) : () -> ()
    %mul3A_11 = arith.constant 640 : i32
    %mul3A_12 = arith.muli %arg1, %mul3A_11 : i32
    %add3A_13 = arith.constant 125 : i32
    %add3A_14 = arith.addi %mul3A_12, %add3A_13 : i32
    "tpu.region"() ({
      %run_scoped3A = tpu.sem_alloc : memref<!tpu.dma_semaphore, #tpu.memory_space<semaphore_mem>>
      %dma_start3A_57 = arith.constant 0 : i32
      %dma_start3A_58 = tpu.memref_slice %arg12[%add3A_14, %dma_start3A_57] : memref<10240x128xf32, #tpu.memory_space<vmem_shared>> -> memref<125x128xf32, #tpu.memory_space<vmem_shared>>
      %dma_start3A_59 = arith.constant 0 : i32
      %dma_start3A_60 = tpu.memref_slice %arg12[%add3A_14, %dma_start3A_59] : memref<10240x128xf32, #tpu.memory_space<vmem_shared>> -> memref<125x128xf32, #tpu.memory_space<vmem_shared>>
      tpu.enqueue_dma source(%arg8 : memref<125x128xf32, #tpu.memory_space<vmem>>) target(%dma_start3A_60 : memref<125x128xf32, #tpu.memory_space<vmem_shared>>) target_semaphore(%run_scoped3A : memref<!tpu.dma_semaphore, #tpu.memory_space<semaphore_mem>>)
      %dma_wait3A = arith.constant 0 : i32
      %dma_wait3A_61 = tpu.memref_slice %arg12[%add3A_14, %dma_wait3A] : memref<10240x128xf32, #tpu.memory_space<vmem_shared>> -> memref<125x128xf32, #tpu.memory_space<vmem_shared>>
      %dma_wait3A_62 = arith.constant 0 : i32
      %dma_wait3A_63 = tpu.memref_slice %arg12[%add3A_14, %dma_wait3A_62] : memref<10240x128xf32, #tpu.memory_space<vmem_shared>> -> memref<125x128xf32, #tpu.memory_space<vmem_shared>>
      tpu.wait_dma2 semaphore(%run_scoped3A : memref<!tpu.dma_semaphore, #tpu.memory_space<semaphore_mem>>) src(%arg8 : memref<125x128xf32, #tpu.memory_space<vmem>>) dst(%dma_wait3A_63 : memref<125x128xf32, #tpu.memory_space<vmem_shared>>)
      tpu.yield
    }) : () -> ()
    %mul3A_15 = arith.constant 640 : i32
    %mul3A_16 = arith.muli %arg1, %mul3A_15 : i32
    %add3A_17 = arith.constant 250 : i32
    %add3A_18 = arith.addi %mul3A_16, %add3A_17 : i32
    "tpu.region"() ({
      %run_scoped3A = tpu.sem_alloc : memref<!tpu.dma_semaphore, #tpu.memory_space<semaphore_mem>>
      %dma_start3A_57 = arith.constant 0 : i32
      %dma_start3A_58 = tpu.memref_slice %arg12[%add3A_18, %dma_start3A_57] : memref<10240x128xf32, #tpu.memory_space<vmem_shared>> -> memref<125x128xf32, #tpu.memory_space<vmem_shared>>
      %dma_start3A_59 = arith.constant 0 : i32
      %dma_start3A_60 = tpu.memref_slice %arg12[%add3A_18, %dma_start3A_59] : memref<10240x128xf32, #tpu.memory_space<vmem_shared>> -> memref<125x128xf32, #tpu.memory_space<vmem_shared>>
      tpu.enqueue_dma source(%arg8 : memref<125x128xf32, #tpu.memory_space<vmem>>) target(%dma_start3A_60 : memref<125x128xf32, #tpu.memory_space<vmem_shared>>) target_semaphore(%run_scoped3A : memref<!tpu.dma_semaphore, #tpu.memory_space<semaphore_mem>>)
      %dma_wait3A = arith.constant 0 : i32
      %dma_wait3A_61 = tpu.memref_slice %arg12[%add3A_18, %dma_wait3A] : memref<10240x128xf32, #tpu.memory_space<vmem_shared>> -> memref<125x128xf32, #tpu.memory_space<vmem_shared>>
      %dma_wait3A_62 = arith.constant 0 : i32
      %dma_wait3A_63 = tpu.memref_slice %arg12[%add3A_18, %dma_wait3A_62] : memref<10240x128xf32, #tpu.memory_space<vmem_shared>> -> memref<125x128xf32, #tpu.memory_space<vmem_shared>>
      tpu.wait_dma2 semaphore(%run_scoped3A : memref<!tpu.dma_semaphore, #tpu.memory_space<semaphore_mem>>) src(%arg8 : memref<125x128xf32, #tpu.memory_space<vmem>>) dst(%dma_wait3A_63 : memref<125x128xf32, #tpu.memory_space<vmem_shared>>)
      tpu.yield
    }) : () -> ()
    %mul3A_19 = arith.constant 640 : i32
    %mul3A_20 = arith.muli %arg1, %mul3A_19 : i32
    %add3A_21 = arith.constant 375 : i32
    %add3A_22 = arith.addi %mul3A_20, %add3A_21 : i32
    "tpu.region"() ({
      %run_scoped3A = tpu.sem_alloc : memref<!tpu.dma_semaphore, #tpu.memory_space<semaphore_mem>>
      %dma_start3A_57 = arith.constant 0 : i32
      %dma_start3A_58 = tpu.memref_slice %arg12[%add3A_22, %dma_start3A_57] : memref<10240x128xf32, #tpu.memory_space<vmem_shared>> -> memref<125x128xf32, #tpu.memory_space<vmem_shared>>
      %dma_start3A_59 = arith.constant 0 : i32
      %dma_start3A_60 = tpu.memref_slice %arg12[%add3A_22, %dma_start3A_59] : memref<10240x128xf32, #tpu.memory_space<vmem_shared>> -> memref<125x128xf32, #tpu.memory_space<vmem_shared>>
      tpu.enqueue_dma source(%arg8 : memref<125x128xf32, #tpu.memory_space<vmem>>) target(%dma_start3A_60 : memref<125x128xf32, #tpu.memory_space<vmem_shared>>) target_semaphore(%run_scoped3A : memref<!tpu.dma_semaphore, #tpu.memory_space<semaphore_mem>>)
      %dma_wait3A = arith.constant 0 : i32
      %dma_wait3A_61 = tpu.memref_slice %arg12[%add3A_22, %dma_wait3A] : memref<10240x128xf32, #tpu.memory_space<vmem_shared>> -> memref<125x128xf32, #tpu.memory_space<vmem_shared>>
      %dma_wait3A_62 = arith.constant 0 : i32
      %dma_wait3A_63 = tpu.memref_slice %arg12[%add3A_22, %dma_wait3A_62] : memref<10240x128xf32, #tpu.memory_space<vmem_shared>> -> memref<125x128xf32, #tpu.memory_space<vmem_shared>>
      tpu.wait_dma2 semaphore(%run_scoped3A : memref<!tpu.dma_semaphore, #tpu.memory_space<semaphore_mem>>) src(%arg8 : memref<125x128xf32, #tpu.memory_space<vmem>>) dst(%dma_wait3A_63 : memref<125x128xf32, #tpu.memory_space<vmem_shared>>)
      tpu.yield
    }) : () -> ()
    %mul3A_23 = arith.constant 640 : i32
    %mul3A_24 = arith.muli %arg1, %mul3A_23 : i32
    %add3A_25 = arith.constant 500 : i32
    %add3A_26 = arith.addi %mul3A_24, %add3A_25 : i32
    "tpu.region"() ({
      %run_scoped3A = tpu.sem_alloc : memref<!tpu.dma_semaphore, #tpu.memory_space<semaphore_mem>>
      %dma_start3A_57 = arith.constant 0 : i32
      %dma_start3A_58 = tpu.memref_slice %arg12[%add3A_26, %dma_start3A_57] : memref<10240x128xf32, #tpu.memory_space<vmem_shared>> -> memref<125x128xf32, #tpu.memory_space<vmem_shared>>
      %dma_start3A_59 = arith.constant 0 : i32
      %dma_start3A_60 = tpu.memref_slice %arg12[%add3A_26, %dma_start3A_59] : memref<10240x128xf32, #tpu.memory_space<vmem_shared>> -> memref<125x128xf32, #tpu.memory_space<vmem_shared>>
      tpu.enqueue_dma source(%arg8 : memref<125x128xf32, #tpu.memory_space<vmem>>) target(%dma_start3A_60 : memref<125x128xf32, #tpu.memory_space<vmem_shared>>) target_semaphore(%run_scoped3A : memref<!tpu.dma_semaphore, #tpu.memory_space<semaphore_mem>>)
      %dma_wait3A = arith.constant 0 : i32
      %dma_wait3A_61 = tpu.memref_slice %arg12[%add3A_26, %dma_wait3A] : memref<10240x128xf32, #tpu.memory_space<vmem_shared>> -> memref<125x128xf32, #tpu.memory_space<vmem_shared>>
      %dma_wait3A_62 = arith.constant 0 : i32
      %dma_wait3A_63 = tpu.memref_slice %arg12[%add3A_26, %dma_wait3A_62] : memref<10240x128xf32, #tpu.memory_space<vmem_shared>> -> memref<125x128xf32, #tpu.memory_space<vmem_shared>>
      tpu.wait_dma2 semaphore(%run_scoped3A : memref<!tpu.dma_semaphore, #tpu.memory_space<semaphore_mem>>) src(%arg8 : memref<125x128xf32, #tpu.memory_space<vmem>>) dst(%dma_wait3A_63 : memref<125x128xf32, #tpu.memory_space<vmem_shared>>)
      tpu.yield
    }) : () -> ()
    %mul3A_27 = arith.constant 640 : i32
    %mul3A_28 = arith.muli %arg1, %mul3A_27 : i32
    %add3A_29 = arith.constant 625 : i32
    %add3A_30 = arith.addi %mul3A_28, %add3A_29 : i32
    "tpu.region"() ({
      %run_scoped3A = tpu.sem_alloc : memref<!tpu.dma_semaphore, #tpu.memory_space<semaphore_mem>>
      %dma_start3A_57 = arith.constant 0 : i32
      %dma_start3A_58 = arith.constant 0 : i32
      %dma_start3A_59 = tpu.memref_slice %arg8[%dma_start3A_57, %dma_start3A_58] : memref<125x128xf32, #tpu.memory_space<vmem>> -> memref<15x128xf32, #tpu.memory_space<vmem>>
      %dma_start3A_60 = arith.constant 0 : i32
      %dma_start3A_61 = tpu.memref_slice %arg12[%add3A_30, %dma_start3A_60] : memref<10240x128xf32, #tpu.memory_space<vmem_shared>> -> memref<15x128xf32, #tpu.memory_space<vmem_shared>>
      %dma_start3A_62 = arith.constant 0 : i32
      %dma_start3A_63 = tpu.memref_slice %arg12[%add3A_30, %dma_start3A_62] : memref<10240x128xf32, #tpu.memory_space<vmem_shared>> -> memref<15x128xf32, #tpu.memory_space<vmem_shared>>
      %dma_start3A_64 = arith.constant 0 : i32
      %dma_start3A_65 = arith.constant 0 : i32
      %dma_start3A_66 = tpu.memref_slice %arg8[%dma_start3A_64, %dma_start3A_65] : memref<125x128xf32, #tpu.memory_space<vmem>> -> memref<15x128xf32, #tpu.memory_space<vmem>>
      tpu.enqueue_dma source(%dma_start3A_66 : memref<15x128xf32, #tpu.memory_space<vmem>>) target(%dma_start3A_63 : memref<15x128xf32, #tpu.memory_space<vmem_shared>>) target_semaphore(%run_scoped3A : memref<!tpu.dma_semaphore, #tpu.memory_space<semaphore_mem>>)
      %dma_wait3A = arith.constant 0 : i32
      %dma_wait3A_67 = arith.constant 0 : i32
      %dma_wait3A_68 = tpu.memref_slice %arg8[%dma_wait3A, %dma_wait3A_67] : memref<125x128xf32, #tpu.memory_space<vmem>> -> memref<15x128xf32, #tpu.memory_space<vmem>>
      %dma_wait3A_69 = arith.constant 0 : i32
      %dma_wait3A_70 = tpu.memref_slice %arg12[%add3A_30, %dma_wait3A_69] : memref<10240x128xf32, #tpu.memory_space<vmem_shared>> -> memref<15x128xf32, #tpu.memory_space<vmem_shared>>
      %dma_wait3A_71 = arith.constant 0 : i32
      %dma_wait3A_72 = tpu.memref_slice %arg12[%add3A_30, %dma_wait3A_71] : memref<10240x128xf32, #tpu.memory_space<vmem_shared>> -> memref<15x128xf32, #tpu.memory_space<vmem_shared>>
      %dma_wait3A_73 = arith.constant 0 : i32
      %dma_wait3A_74 = arith.constant 0 : i32
      %dma_wait3A_75 = tpu.memref_slice %arg8[%dma_wait3A_73, %dma_wait3A_74] : memref<125x128xf32, #tpu.memory_space<vmem>> -> memref<15x128xf32, #tpu.memory_space<vmem>>
      tpu.wait_dma2 semaphore(%run_scoped3A : memref<!tpu.dma_semaphore, #tpu.memory_space<semaphore_mem>>) src(%dma_wait3A_75 : memref<15x128xf32, #tpu.memory_space<vmem>>) dst(%dma_wait3A_72 : memref<15x128xf32, #tpu.memory_space<vmem_shared>>)
      tpu.yield
    }) : () -> ()
    %barrier3A = arith.constant 0 : index
    tpu.barrier barrier_id(%barrier3A)
    %mul3A_31 = arith.constant 40 : i32
    %mul3A_32 = arith.muli %add3A, %mul3A_31 : i32
    "tpu.region"() ({
      %run_scoped3A = tpu.sem_alloc : memref<!tpu.dma_semaphore, #tpu.memory_space<semaphore_mem>>
      %dma_start3A_57 = arith.constant 0 : i32
      %dma_start3A_58 = tpu.memref_slice %arg3[%mul3A_32, %dma_start3A_57] : memref<1280x125xi32, #tpu.memory_space<hbm>> -> memref<40x125xi32, #tpu.memory_space<hbm>>
      %dma_start3A_59 = arith.constant 0 : i32
      %dma_start3A_60 = tpu.memref_slice %arg3[%mul3A_32, %dma_start3A_59] : memref<1280x125xi32, #tpu.memory_space<hbm>> -> memref<40x125xi32, #tpu.memory_space<hbm>>
      tpu.enqueue_dma source(%dma_start3A_60 : memref<40x125xi32, #tpu.memory_space<hbm>>) target(%arg6 : memref<40x125xi32, #tpu.memory_space<vmem>>) target_semaphore(%run_scoped3A : memref<!tpu.dma_semaphore, #tpu.memory_space<semaphore_mem>>)
      %dma_wait3A = arith.constant 0 : i32
      %dma_wait3A_61 = tpu.memref_slice %arg3[%mul3A_32, %dma_wait3A] : memref<1280x125xi32, #tpu.memory_space<hbm>> -> memref<40x125xi32, #tpu.memory_space<hbm>>
      %dma_wait3A_62 = arith.constant 0 : i32
      %dma_wait3A_63 = tpu.memref_slice %arg3[%mul3A_32, %dma_wait3A_62] : memref<1280x125xi32, #tpu.memory_space<hbm>> -> memref<40x125xi32, #tpu.memory_space<hbm>>
      tpu.wait_dma2 semaphore(%run_scoped3A : memref<!tpu.dma_semaphore, #tpu.memory_space<semaphore_mem>>) src(%dma_wait3A_63 : memref<40x125xi32, #tpu.memory_space<hbm>>) dst(%arg6 : memref<40x125xi32, #tpu.memory_space<vmem>>)
      tpu.yield
    }) : () -> ()
    "tpu.region"() ({
      %run_scoped3A = tpu.sem_alloc : memref<!tpu.dma_semaphore, #tpu.memory_space<semaphore_mem>>
      %dma_start3A_57 = arith.constant 0 : i32
      %dma_start3A_58 = tpu.memref_slice %arg4[%mul3A_32, %dma_start3A_57] : memref<1280x125xi32, #tpu.memory_space<hbm>> -> memref<40x125xi32, #tpu.memory_space<hbm>>
      %dma_start3A_59 = arith.constant 0 : i32
      %dma_start3A_60 = tpu.memref_slice %arg4[%mul3A_32, %dma_start3A_59] : memref<1280x125xi32, #tpu.memory_space<hbm>> -> memref<40x125xi32, #tpu.memory_space<hbm>>
      tpu.enqueue_dma source(%dma_start3A_60 : memref<40x125xi32, #tpu.memory_space<hbm>>) target(%arg7 : memref<40x125xi32, #tpu.memory_space<vmem>>) target_semaphore(%run_scoped3A : memref<!tpu.dma_semaphore, #tpu.memory_space<semaphore_mem>>)
      %dma_wait3A = arith.constant 0 : i32
      %dma_wait3A_61 = tpu.memref_slice %arg4[%mul3A_32, %dma_wait3A] : memref<1280x125xi32, #tpu.memory_space<hbm>> -> memref<40x125xi32, #tpu.memory_space<hbm>>
      %dma_wait3A_62 = arith.constant 0 : i32
      %dma_wait3A_63 = tpu.memref_slice %arg4[%mul3A_32, %dma_wait3A_62] : memref<1280x125xi32, #tpu.memory_space<hbm>> -> memref<40x125xi32, #tpu.memory_space<hbm>>
      tpu.wait_dma2 semaphore(%run_scoped3A : memref<!tpu.dma_semaphore, #tpu.memory_space<semaphore_mem>>) src(%dma_wait3A_63 : memref<40x125xi32, #tpu.memory_space<hbm>>) dst(%arg7 : memref<40x125xi32, #tpu.memory_space<vmem>>)
      tpu.yield
    }) : () -> ()
    %dma_start3A = arith.constant 0 : i32
    %dma_start3A_33 = arith.constant 0 : i32
    %dma_start3A_34 = tpu.memref_slice %arg6[%dma_start3A, %dma_start3A_33] : memref<40x125xi32, #tpu.memory_space<vmem>> -> memref<1x125xi32, #tpu.memory_space<vmem>>
    %dma_start3A_35 = tpu.memref_squeeze %dma_start3A_34 : memref<1x125xi32, #tpu.memory_space<vmem>> -> memref<125xi32, #tpu.memory_space<vmem>>
    %dma_start3A_36 = arith.constant 0 : i32
    %dma_start3A_37 = arith.constant 0 : i32
    %dma_start3A_38 = tpu.memref_slice %arg2[%dma_start3A_36, %dma_start3A_37] : memref<10000x128xf32, #tpu.memory_space<hbm>> -> memref<10000x128xf32, #tpu.memory_space<hbm>>
    tpu.enqueue_indirect_dma source(%dma_start3A_38 : memref<10000x128xf32, #tpu.memory_space<hbm>>) target(%arg8 : memref<125x128xf32, #tpu.memory_space<vmem>>) offsets(%dma_start3A_35 : memref<125xi32, #tpu.memory_space<vmem>>) semaphore(%arg10 : memref<!tpu.dma_semaphore, #tpu.memory_space<semaphore_mem>>)
    %dma_start3A_39 = arith.constant 1 : i32
    %dma_start3A_40 = arith.constant 0 : i32
    %dma_start3A_41 = tpu.memref_slice %arg6[%dma_start3A_39, %dma_start3A_40] : memref<40x125xi32, #tpu.memory_space<vmem>> -> memref<1x125xi32, #tpu.memory_space<vmem>>
    %dma_start3A_42 = tpu.memref_squeeze %dma_start3A_41 : memref<1x125xi32, #tpu.memory_space<vmem>> -> memref<125xi32, #tpu.memory_space<vmem>>
    %dma_start3A_43 = arith.constant 0 : i32
    %dma_start3A_44 = arith.constant 0 : i32
    %dma_start3A_45 = tpu.memref_slice %arg2[%dma_start3A_43, %dma_start3A_44] : memref<10000x128xf32, #tpu.memory_space<hbm>> -> memref<10000x128xf32, #tpu.memory_space<hbm>>
    tpu.enqueue_indirect_dma source(%dma_start3A_45 : memref<10000x128xf32, #tpu.memory_space<hbm>>) target(%arg9 : memref<125x128xf32, #tpu.memory_space<vmem>>) offsets(%dma_start3A_42 : memref<125xi32, #tpu.memory_space<vmem>>) semaphore(%arg11 : memref<!tpu.dma_semaphore, #tpu.memory_space<semaphore_mem>>)
    %scan3A_46 = arith.constant 0 : i32
    %scan3A_47 = arith.constant 0 : i32
    %scan3A_48 = arith.constant 20 : i32
    %scan3A_49 = arith.addi %scan3A_47, %scan3A_48 : i32
    %scan3A_50 = arith.constant 1 : i32
    scf.for %scan3A_57 = %scan3A_47 to %scan3A_49 step %scan3A_50  : i32 {
      %mul3A_58 = arith.constant 2 : i32
      %mul3A_59 = arith.muli %mul3A_58, %scan3A_57 : i32
      %dma_wait3A = arith.constant 0 : i32
      %dma_wait3A_60 = tpu.memref_slice %arg6[%mul3A_59, %dma_wait3A] : memref<40x125xi32, #tpu.memory_space<vmem>> -> memref<1x125xi32, #tpu.memory_space<vmem>>
      %dma_wait3A_61 = tpu.memref_squeeze %dma_wait3A_60 : memref<1x125xi32, #tpu.memory_space<vmem>> -> memref<125xi32, #tpu.memory_space<vmem>>
      %dma_wait3A_62 = arith.constant 0 : i32
      %dma_wait3A_63 = arith.constant 0 : i32
      %dma_wait3A_64 = tpu.memref_slice %arg2[%dma_wait3A_62, %dma_wait3A_63] : memref<10000x128xf32, #tpu.memory_space<hbm>> -> memref<10000x128xf32, #tpu.memory_space<hbm>>
      tpu.wait_indirect_dma semaphore(%arg10 : memref<!tpu.dma_semaphore, #tpu.memory_space<semaphore_mem>>) src(%dma_wait3A_64 : memref<10000x128xf32, #tpu.memory_space<hbm>>) dst(%arg8 : memref<125x128xf32, #tpu.memory_space<vmem>>)
      %mul3A_65 = arith.constant 2 : i32
      %mul3A_66 = arith.muli %mul3A_65, %scan3A_57 : i32
      "tpu.region"() ({
        %run_scoped3A = tpu.sem_alloc : memref<!tpu.dma_semaphore, #tpu.memory_space<semaphore_mem>>
        %dma_start3A_88 = arith.constant 0 : i32
        %dma_start3A_89 = tpu.memref_slice %arg7[%mul3A_66, %dma_start3A_88] : memref<40x125xi32, #tpu.memory_space<vmem>> -> memref<1x125xi32, #tpu.memory_space<vmem>>
        %dma_start3A_90 = tpu.memref_squeeze %dma_start3A_89 : memref<1x125xi32, #tpu.memory_space<vmem>> -> memref<125xi32, #tpu.memory_space<vmem>>
        %dma_start3A_91 = arith.constant 0 : i32
        %dma_start3A_92 = arith.constant 0 : i32
        %dma_start3A_93 = tpu.memref_slice %arg12[%dma_start3A_91, %dma_start3A_92] : memref<10240x128xf32, #tpu.memory_space<vmem_shared>> -> memref<10240x128xf32, #tpu.memory_space<vmem_shared>>
        tpu.enqueue_indirect_dma source(%arg8 : memref<125x128xf32, #tpu.memory_space<vmem>>) target(%dma_start3A_93 : memref<10240x128xf32, #tpu.memory_space<vmem_shared>>) offsets(%dma_start3A_90 : memref<125xi32, #tpu.memory_space<vmem>>) semaphore(%run_scoped3A : memref<!tpu.dma_semaphore, #tpu.memory_space<semaphore_mem>>) {add = true}
        %dma_wait3A_94 = arith.constant 0 : i32
        %dma_wait3A_95 = tpu.memref_slice %arg7[%mul3A_66, %dma_wait3A_94] : memref<40x125xi32, #tpu.memory_space<vmem>> -> memref<1x125xi32, #tpu.memory_space<vmem>>
        %dma_wait3A_96 = tpu.memref_squeeze %dma_wait3A_95 : memref<1x125xi32, #tpu.memory_space<vmem>> -> memref<125xi32, #tpu.memory_space<vmem>>
        %dma_wait3A_97 = arith.constant 0 : i32
        %dma_wait3A_98 = arith.constant 0 : i32
        %dma_wait3A_99 = tpu.memref_slice %arg12[%dma_wait3A_97, %dma_wait3A_98] : memref<10240x128xf32, #tpu.memory_space<vmem_shared>> -> memref<10240x128xf32, #tpu.memory_space<vmem_shared>>
        tpu.wait_indirect_dma semaphore(%run_scoped3A : memref<!tpu.dma_semaphore, #tpu.memory_space<semaphore_mem>>) src(%arg8 : memref<125x128xf32, #tpu.memory_space<vmem>>) dst(%dma_wait3A_99 : memref<10240x128xf32, #tpu.memory_space<vmem_shared>>)
        tpu.yield
      }) : () -> ()
      %lt3A = arith.constant 19 : i32
      %lt3A_67 = arith.cmpi slt, %scan3A_57, %lt3A : i32
      %convert_element_type3A = arith.extui %lt3A_67 : i1 to i32
      %cond3A = arith.constant 0 : i32
      %cond3A_68 = arith.cmpi ne, %convert_element_type3A, %cond3A : i32
      scf.if %cond3A_68 {
        %mul3A_88 = arith.constant 2 : i32
        %mul3A_89 = arith.muli %mul3A_88, %scan3A_57 : i32
        %add3A_90 = arith.constant 2 : i32
        %add3A_91 = arith.addi %mul3A_89, %add3A_90 : i32
        %dma_start3A_92 = arith.constant 0 : i32
        %dma_start3A_93 = tpu.memref_slice %arg6[%add3A_91, %dma_start3A_92] : memref<40x125xi32, #tpu.memory_space<vmem>> -> memref<1x125xi32, #tpu.memory_space<vmem>>
        %dma_start3A_94 = tpu.memref_squeeze %dma_start3A_93 : memref<1x125xi32, #tpu.memory_space<vmem>> -> memref<125xi32, #tpu.memory_space<vmem>>
        %dma_start3A_95 = arith.constant 0 : i32
        %dma_start3A_96 = arith.constant 0 : i32
        %dma_start3A_97 = tpu.memref_slice %arg2[%dma_start3A_95, %dma_start3A_96] : memref<10000x128xf32, #tpu.memory_space<hbm>> -> memref<10000x128xf32, #tpu.memory_space<hbm>>
        tpu.enqueue_indirect_dma source(%dma_start3A_97 : memref<10000x128xf32, #tpu.memory_space<hbm>>) target(%arg8 : memref<125x128xf32, #tpu.memory_space<vmem>>) offsets(%dma_start3A_94 : memref<125xi32, #tpu.memory_space<vmem>>) semaphore(%arg10 : memref<!tpu.dma_semaphore, #tpu.memory_space<semaphore_mem>>)
      } else {
      }
      %mul3A_69 = arith.constant 2 : i32
      %mul3A_70 = arith.muli %mul3A_69, %scan3A_57 : i32
      %add3A_71 = arith.constant 1 : i32
      %add3A_72 = arith.addi %mul3A_70, %add3A_71 : i32
      %dma_wait3A_73 = arith.constant 0 : i32
      %dma_wait3A_74 = tpu.memref_slice %arg6[%add3A_72, %dma_wait3A_73] : memref<40x125xi32, #tpu.memory_space<vmem>> -> memref<1x125xi32, #tpu.memory_space<vmem>>
      %dma_wait3A_75 = tpu.memref_squeeze %dma_wait3A_74 : memref<1x125xi32, #tpu.memory_space<vmem>> -> memref<125xi32, #tpu.memory_space<vmem>>
      %dma_wait3A_76 = arith.constant 0 : i32
      %dma_wait3A_77 = arith.constant 0 : i32
      %dma_wait3A_78 = tpu.memref_slice %arg2[%dma_wait3A_76, %dma_wait3A_77] : memref<10000x128xf32, #tpu.memory_space<hbm>> -> memref<10000x128xf32, #tpu.memory_space<hbm>>
      tpu.wait_indirect_dma semaphore(%arg11 : memref<!tpu.dma_semaphore, #tpu.memory_space<semaphore_mem>>) src(%dma_wait3A_78 : memref<10000x128xf32, #tpu.memory_space<hbm>>) dst(%arg9 : memref<125x128xf32, #tpu.memory_space<vmem>>)
      %mul3A_79 = arith.constant 2 : i32
      %mul3A_80 = arith.muli %mul3A_79, %scan3A_57 : i32
      %add3A_81 = arith.constant 1 : i32
      %add3A_82 = arith.addi %mul3A_80, %add3A_81 : i32
      "tpu.region"() ({
        %run_scoped3A = tpu.sem_alloc : memref<!tpu.dma_semaphore, #tpu.memory_space<semaphore_mem>>
        %dma_start3A_88 = arith.constant 0 : i32
        %dma_start3A_89 = tpu.memref_slice %arg7[%add3A_82, %dma_start3A_88] : memref<40x125xi32, #tpu.memory_space<vmem>> -> memref<1x125xi32, #tpu.memory_space<vmem>>
        %dma_start3A_90 = tpu.memref_squeeze %dma_start3A_89 : memref<1x125xi32, #tpu.memory_space<vmem>> -> memref<125xi32, #tpu.memory_space<vmem>>
        %dma_start3A_91 = arith.constant 0 : i32
        %dma_start3A_92 = arith.constant 0 : i32
        %dma_start3A_93 = tpu.memref_slice %arg12[%dma_start3A_91, %dma_start3A_92] : memref<10240x128xf32, #tpu.memory_space<vmem_shared>> -> memref<10240x128xf32, #tpu.memory_space<vmem_shared>>
        tpu.enqueue_indirect_dma source(%arg9 : memref<125x128xf32, #tpu.memory_space<vmem>>) target(%dma_start3A_93 : memref<10240x128xf32, #tpu.memory_space<vmem_shared>>) offsets(%dma_start3A_90 : memref<125xi32, #tpu.memory_space<vmem>>) semaphore(%run_scoped3A : memref<!tpu.dma_semaphore, #tpu.memory_space<semaphore_mem>>) {add = true}
        %dma_wait3A_94 = arith.constant 0 : i32
        %dma_wait3A_95 = tpu.memref_slice %arg7[%add3A_82, %dma_wait3A_94] : memref<40x125xi32, #tpu.memory_space<vmem>> -> memref<1x125xi32, #tpu.memory_space<vmem>>
        %dma_wait3A_96 = tpu.memref_squeeze %dma_wait3A_95 : memref<1x125xi32, #tpu.memory_space<vmem>> -> memref<125xi32, #tpu.memory_space<vmem>>
        %dma_wait3A_97 = arith.constant 0 : i32
        %dma_wait3A_98 = arith.constant 0 : i32
        %dma_wait3A_99 = tpu.memref_slice %arg12[%dma_wait3A_97, %dma_wait3A_98] : memref<10240x128xf32, #tpu.memory_space<vmem_shared>> -> memref<10240x128xf32, #tpu.memory_space<vmem_shared>>
        tpu.wait_indirect_dma semaphore(%run_scoped3A : memref<!tpu.dma_semaphore, #tpu.memory_space<semaphore_mem>>) src(%arg9 : memref<125x128xf32, #tpu.memory_space<vmem>>) dst(%dma_wait3A_99 : memref<10240x128xf32, #tpu.memory_space<vmem_shared>>)
        tpu.yield
      }) : () -> ()
      %lt3A_83 = arith.constant 19 : i32
      %lt3A_84 = arith.cmpi slt, %scan3A_57, %lt3A_83 : i32
      %convert_element_type3A_85 = arith.extui %lt3A_84 : i1 to i32
      %cond3A_86 = arith.constant 0 : i32
      %cond3A_87 = arith.cmpi ne, %convert_element_type3A_85, %cond3A_86 : i32
      scf.if %cond3A_87 {
        %mul3A_88 = arith.constant 2 : i32
        %mul3A_89 = arith.muli %mul3A_88, %scan3A_57 : i32
        %add3A_90 = arith.constant 3 : i32
        %add3A_91 = arith.addi %mul3A_89, %add3A_90 : i32
        %dma_start3A_92 = arith.constant 0 : i32
        %dma_start3A_93 = tpu.memref_slice %arg6[%add3A_91, %dma_start3A_92] : memref<40x125xi32, #tpu.memory_space<vmem>> -> memref<1x125xi32, #tpu.memory_space<vmem>>
        %dma_start3A_94 = tpu.memref_squeeze %dma_start3A_93 : memref<1x125xi32, #tpu.memory_space<vmem>> -> memref<125xi32, #tpu.memory_space<vmem>>
        %dma_start3A_95 = arith.constant 0 : i32
        %dma_start3A_96 = arith.constant 0 : i32
        %dma_start3A_97 = tpu.memref_slice %arg2[%dma_start3A_95, %dma_start3A_96] : memref<10000x128xf32, #tpu.memory_space<hbm>> -> memref<10000x128xf32, #tpu.memory_space<hbm>>
        tpu.enqueue_indirect_dma source(%dma_start3A_97 : memref<10000x128xf32, #tpu.memory_space<hbm>>) target(%arg9 : memref<125x128xf32, #tpu.memory_space<vmem>>) offsets(%dma_start3A_94 : memref<125xi32, #tpu.memory_space<vmem>>) semaphore(%arg11 : memref<!tpu.dma_semaphore, #tpu.memory_space<semaphore_mem>>)
      } else {
      }
    }
    %scan3A_51 = arith.constant 20 : i32
    %barrier3A_52 = arith.constant 0 : index
    tpu.barrier barrier_id(%barrier3A_52)
    %mul3A_53 = arith.constant 640 : i32
    %mul3A_54 = arith.muli %arg1, %mul3A_53 : i32
    %mul3A_55 = arith.constant 640 : i32
    %mul3A_56 = arith.muli %arg1, %mul3A_55 : i32
    "tpu.region"() ({
      %run_scoped3A = tpu.sem_alloc : memref<!tpu.dma_semaphore, #tpu.memory_space<semaphore_mem>>
      %dma_start3A_57 = arith.constant 0 : i32
      %dma_start3A_58 = tpu.memref_slice %arg5[%arg0, %mul3A_56, %dma_start3A_57] : memref<2x10240x128xf32, #tpu.memory_space<hbm>> -> memref<1x640x128xf32, #tpu.memory_space<hbm>>
      %dma_start3A_59 = tpu.memref_squeeze %dma_start3A_58 : memref<1x640x128xf32, #tpu.memory_space<hbm>> -> memref<640x128xf32, #tpu.memory_space<hbm>>
      %dma_start3A_60 = arith.constant 0 : i32
      %dma_start3A_61 = tpu.memref_slice %arg12[%mul3A_54, %dma_start3A_60] : memref<10240x128xf32, #tpu.memory_space<vmem_shared>> -> memref<640x128xf32, #tpu.memory_space<vmem_shared>>
      tpu.enqueue_dma source(%dma_start3A_61 : memref<640x128xf32, #tpu.memory_space<vmem_shared>>) target(%dma_start3A_59 : memref<640x128xf32, #tpu.memory_space<hbm>>) target_semaphore(%run_scoped3A : memref<!tpu.dma_semaphore, #tpu.memory_space<semaphore_mem>>)
      %dma_wait3A = arith.constant 0 : i32
      %dma_wait3A_62 = tpu.memref_slice %arg5[%arg0, %mul3A_56, %dma_wait3A] : memref<2x10240x128xf32, #tpu.memory_space<hbm>> -> memref<1x640x128xf32, #tpu.memory_space<hbm>>
      %dma_wait3A_63 = tpu.memref_squeeze %dma_wait3A_62 : memref<1x640x128xf32, #tpu.memory_space<hbm>> -> memref<640x128xf32, #tpu.memory_space<hbm>>
      %dma_wait3A_64 = arith.constant 0 : i32
      %dma_wait3A_65 = tpu.memref_slice %arg12[%mul3A_54, %dma_wait3A_64] : memref<10240x128xf32, #tpu.memory_space<vmem_shared>> -> memref<640x128xf32, #tpu.memory_space<vmem_shared>>
      tpu.wait_dma2 semaphore(%run_scoped3A : memref<!tpu.dma_semaphore, #tpu.memory_space<semaphore_mem>>) src(%dma_wait3A_65 : memref<640x128xf32, #tpu.memory_space<vmem_shared>>) dst(%dma_wait3A_63 : memref<640x128xf32, #tpu.memory_space<hbm>>)
      tpu.yield
    }) : () -> ()
    return
  }
}

#map = affine_map<(d0, d1) -> (0, 0)>
#map1 = affine_map<(d0, d1) -> (0, 0, 0)>
module attributes {stable_mosaic.version = 14 : i64} {
  func.func @agg_kernel(%arg0: i32, %arg1: i32, %arg2: memref<10000x64xbf16, #tpu.memory_space<hbm>>, %arg3: memref<1280x125xi32, #tpu.memory_space<hbm>>, %arg4: memref<1280x125xi32, #tpu.memory_space<hbm>>, %arg5: memref<2x10240x64xbf16, #tpu.memory_space<hbm>>, %arg6: memref<40x125xi32, #tpu.memory_space<vmem>>, %arg7: memref<40x125xi32, #tpu.memory_space<vmem>>, %arg8: memref<125x64xbf16, #tpu.memory_space<vmem>>, %arg9: memref<125x64xbf16, #tpu.memory_space<vmem>>, %arg10: memref<!tpu.dma_semaphore, #tpu.memory_space<semaphore_mem>>, %arg11: memref<!tpu.dma_semaphore, #tpu.memory_space<semaphore_mem>>, %arg12: memref<10240x64xbf16, #tpu.memory_space<vmem_shared>>) attributes {dimension_semantics = [#tpu.dimension_semantics<core_parallel>, #tpu.dimension_semantics<subcore_parallel>], iteration_bounds = array<i64: 2, 16>, scalar_prefetch = 0 : i64, scratch_operands = 7 : i64, tpu.core_type = #tpu.core_type<sc_vector_subcore>, window_params = [{transform_indices = #map}, {transform_indices = #map}, {transform_indices = #map}, {transform_indices = #map1}]} {
    %mul3A = arith.constant 2 : i32
    %mul3A_0 = arith.muli %arg1, %mul3A : i32
    %add3A = arith.addi %mul3A_0, %arg0 : i32
    %broadcast_in_dim3A = arith.constant 0.000000e+00 : bf16
    %broadcast_in_dim3A_1 = vector.broadcast %broadcast_in_dim3A : bf16 to vector<32xbf16>
    %scan3A = arith.constant 0 : i32
    %scan3A_2 = arith.constant 0 : i32
    %scan3A_3 = arith.constant 125 : i32
    %scan3A_4 = arith.addi %scan3A_2, %scan3A_3 : i32
    %scan3A_5 = arith.constant 1 : i32
    scf.for %scan3A_57 = %scan3A_2 to %scan3A_4 step %scan3A_5  : i32 {
      %swap3A = arith.index_cast %scan3A_57 : i32 to index
      %swap3A_58 = arith.constant 0 : index
      %swap3A_59 = tpu.vector_load %arg8[%swap3A, %swap3A_58] {strides = array<i32>} : memref<125x64xbf16, #tpu.memory_space<vmem>>, vector<1x32xbf16>,
      %swap3A_60 = vector.shape_cast %swap3A_59 : vector<1x32xbf16> to vector<32xbf16>
      %swap3A_61 = vector.shape_cast %broadcast_in_dim3A_1 : vector<32xbf16> to vector<1x32xbf16>
      tpu.vector_store %arg8[%swap3A, %swap3A_58], %swap3A_61 {strides = array<i32>} : memref<125x64xbf16, #tpu.memory_space<vmem>>, vector<1x32xbf16>,
      %swap3A_62 = arith.index_cast %scan3A_57 : i32 to index
      %swap3A_63 = arith.constant 32 : index
      %swap3A_64 = tpu.vector_load %arg8[%swap3A_62, %swap3A_63] {strides = array<i32>} : memref<125x64xbf16, #tpu.memory_space<vmem>>, vector<1x32xbf16>,
      %swap3A_65 = vector.shape_cast %swap3A_64 : vector<1x32xbf16> to vector<32xbf16>
      %swap3A_66 = vector.shape_cast %broadcast_in_dim3A_1 : vector<32xbf16> to vector<1x32xbf16>
      tpu.vector_store %arg8[%swap3A_62, %swap3A_63], %swap3A_66 {strides = array<i32>} : memref<125x64xbf16, #tpu.memory_space<vmem>>, vector<1x32xbf16>,
    }
    %scan3A_6 = arith.constant 125 : i32
    %mul3A_7 = arith.constant 640 : i32
    %mul3A_8 = arith.muli %arg1, %mul3A_7 : i32
    %add3A_9 = arith.constant 0 : i32
    %add3A_10 = arith.addi %mul3A_8, %add3A_9 : i32
    "tpu.region"() ({
      %run_scoped3A = tpu.sem_alloc : memref<!tpu.dma_semaphore, #tpu.memory_space<semaphore_mem>>
      %dma_start3A_57 = arith.constant 0 : i32
      %dma_start3A_58 = tpu.memref_slice %arg12[%add3A_10, %dma_start3A_57] : memref<10240x64xbf16, #tpu.memory_space<vmem_shared>> -> memref<125x64xbf16, #tpu.memory_space<vmem_shared>>
      %dma_start3A_59 = arith.constant 0 : i32
      %dma_start3A_60 = tpu.memref_slice %arg12[%add3A_10, %dma_start3A_59] : memref<10240x64xbf16, #tpu.memory_space<vmem_shared>> -> memref<125x64xbf16, #tpu.memory_space<vmem_shared>>
      tpu.enqueue_dma source(%arg8 : memref<125x64xbf16, #tpu.memory_space<vmem>>) target(%dma_start3A_60 : memref<125x64xbf16, #tpu.memory_space<vmem_shared>>) target_semaphore(%run_scoped3A : memref<!tpu.dma_semaphore, #tpu.memory_space<semaphore_mem>>)
      %dma_wait3A = arith.constant 0 : i32
      %dma_wait3A_61 = tpu.memref_slice %arg12[%add3A_10, %dma_wait3A] : memref<10240x64xbf16, #tpu.memory_space<vmem_shared>> -> memref<125x64xbf16, #tpu.memory_space<vmem_shared>>
      %dma_wait3A_62 = arith.constant 0 : i32
      %dma_wait3A_63 = tpu.memref_slice %arg12[%add3A_10, %dma_wait3A_62] : memref<10240x64xbf16, #tpu.memory_space<vmem_shared>> -> memref<125x64xbf16, #tpu.memory_space<vmem_shared>>
      tpu.wait_dma2 semaphore(%run_scoped3A : memref<!tpu.dma_semaphore, #tpu.memory_space<semaphore_mem>>) src(%arg8 : memref<125x64xbf16, #tpu.memory_space<vmem>>) dst(%dma_wait3A_63 : memref<125x64xbf16, #tpu.memory_space<vmem_shared>>)
      tpu.yield
    }) : () -> ()
    %mul3A_11 = arith.constant 640 : i32
    %mul3A_12 = arith.muli %arg1, %mul3A_11 : i32
    %add3A_13 = arith.constant 125 : i32
    %add3A_14 = arith.addi %mul3A_12, %add3A_13 : i32
    "tpu.region"() ({
      %run_scoped3A = tpu.sem_alloc : memref<!tpu.dma_semaphore, #tpu.memory_space<semaphore_mem>>
      %dma_start3A_57 = arith.constant 0 : i32
      %dma_start3A_58 = tpu.memref_slice %arg12[%add3A_14, %dma_start3A_57] : memref<10240x64xbf16, #tpu.memory_space<vmem_shared>> -> memref<125x64xbf16, #tpu.memory_space<vmem_shared>>
      %dma_start3A_59 = arith.constant 0 : i32
      %dma_start3A_60 = tpu.memref_slice %arg12[%add3A_14, %dma_start3A_59] : memref<10240x64xbf16, #tpu.memory_space<vmem_shared>> -> memref<125x64xbf16, #tpu.memory_space<vmem_shared>>
      tpu.enqueue_dma source(%arg8 : memref<125x64xbf16, #tpu.memory_space<vmem>>) target(%dma_start3A_60 : memref<125x64xbf16, #tpu.memory_space<vmem_shared>>) target_semaphore(%run_scoped3A : memref<!tpu.dma_semaphore, #tpu.memory_space<semaphore_mem>>)
      %dma_wait3A = arith.constant 0 : i32
      %dma_wait3A_61 = tpu.memref_slice %arg12[%add3A_14, %dma_wait3A] : memref<10240x64xbf16, #tpu.memory_space<vmem_shared>> -> memref<125x64xbf16, #tpu.memory_space<vmem_shared>>
      %dma_wait3A_62 = arith.constant 0 : i32
      %dma_wait3A_63 = tpu.memref_slice %arg12[%add3A_14, %dma_wait3A_62] : memref<10240x64xbf16, #tpu.memory_space<vmem_shared>> -> memref<125x64xbf16, #tpu.memory_space<vmem_shared>>
      tpu.wait_dma2 semaphore(%run_scoped3A : memref<!tpu.dma_semaphore, #tpu.memory_space<semaphore_mem>>) src(%arg8 : memref<125x64xbf16, #tpu.memory_space<vmem>>) dst(%dma_wait3A_63 : memref<125x64xbf16, #tpu.memory_space<vmem_shared>>)
      tpu.yield
    }) : () -> ()
    %mul3A_15 = arith.constant 640 : i32
    %mul3A_16 = arith.muli %arg1, %mul3A_15 : i32
    %add3A_17 = arith.constant 250 : i32
    %add3A_18 = arith.addi %mul3A_16, %add3A_17 : i32
    "tpu.region"() ({
      %run_scoped3A = tpu.sem_alloc : memref<!tpu.dma_semaphore, #tpu.memory_space<semaphore_mem>>
      %dma_start3A_57 = arith.constant 0 : i32
      %dma_start3A_58 = tpu.memref_slice %arg12[%add3A_18, %dma_start3A_57] : memref<10240x64xbf16, #tpu.memory_space<vmem_shared>> -> memref<125x64xbf16, #tpu.memory_space<vmem_shared>>
      %dma_start3A_59 = arith.constant 0 : i32
      %dma_start3A_60 = tpu.memref_slice %arg12[%add3A_18, %dma_start3A_59] : memref<10240x64xbf16, #tpu.memory_space<vmem_shared>> -> memref<125x64xbf16, #tpu.memory_space<vmem_shared>>
      tpu.enqueue_dma source(%arg8 : memref<125x64xbf16, #tpu.memory_space<vmem>>) target(%dma_start3A_60 : memref<125x64xbf16, #tpu.memory_space<vmem_shared>>) target_semaphore(%run_scoped3A : memref<!tpu.dma_semaphore, #tpu.memory_space<semaphore_mem>>)
      %dma_wait3A = arith.constant 0 : i32
      %dma_wait3A_61 = tpu.memref_slice %arg12[%add3A_18, %dma_wait3A] : memref<10240x64xbf16, #tpu.memory_space<vmem_shared>> -> memref<125x64xbf16, #tpu.memory_space<vmem_shared>>
      %dma_wait3A_62 = arith.constant 0 : i32
      %dma_wait3A_63 = tpu.memref_slice %arg12[%add3A_18, %dma_wait3A_62] : memref<10240x64xbf16, #tpu.memory_space<vmem_shared>> -> memref<125x64xbf16, #tpu.memory_space<vmem_shared>>
      tpu.wait_dma2 semaphore(%run_scoped3A : memref<!tpu.dma_semaphore, #tpu.memory_space<semaphore_mem>>) src(%arg8 : memref<125x64xbf16, #tpu.memory_space<vmem>>) dst(%dma_wait3A_63 : memref<125x64xbf16, #tpu.memory_space<vmem_shared>>)
      tpu.yield
    }) : () -> ()
    %mul3A_19 = arith.constant 640 : i32
    %mul3A_20 = arith.muli %arg1, %mul3A_19 : i32
    %add3A_21 = arith.constant 375 : i32
    %add3A_22 = arith.addi %mul3A_20, %add3A_21 : i32
    "tpu.region"() ({
      %run_scoped3A = tpu.sem_alloc : memref<!tpu.dma_semaphore, #tpu.memory_space<semaphore_mem>>
      %dma_start3A_57 = arith.constant 0 : i32
      %dma_start3A_58 = tpu.memref_slice %arg12[%add3A_22, %dma_start3A_57] : memref<10240x64xbf16, #tpu.memory_space<vmem_shared>> -> memref<125x64xbf16, #tpu.memory_space<vmem_shared>>
      %dma_start3A_59 = arith.constant 0 : i32
      %dma_start3A_60 = tpu.memref_slice %arg12[%add3A_22, %dma_start3A_59] : memref<10240x64xbf16, #tpu.memory_space<vmem_shared>> -> memref<125x64xbf16, #tpu.memory_space<vmem_shared>>
      tpu.enqueue_dma source(%arg8 : memref<125x64xbf16, #tpu.memory_space<vmem>>) target(%dma_start3A_60 : memref<125x64xbf16, #tpu.memory_space<vmem_shared>>) target_semaphore(%run_scoped3A : memref<!tpu.dma_semaphore, #tpu.memory_space<semaphore_mem>>)
      %dma_wait3A = arith.constant 0 : i32
      %dma_wait3A_61 = tpu.memref_slice %arg12[%add3A_22, %dma_wait3A] : memref<10240x64xbf16, #tpu.memory_space<vmem_shared>> -> memref<125x64xbf16, #tpu.memory_space<vmem_shared>>
      %dma_wait3A_62 = arith.constant 0 : i32
      %dma_wait3A_63 = tpu.memref_slice %arg12[%add3A_22, %dma_wait3A_62] : memref<10240x64xbf16, #tpu.memory_space<vmem_shared>> -> memref<125x64xbf16, #tpu.memory_space<vmem_shared>>
      tpu.wait_dma2 semaphore(%run_scoped3A : memref<!tpu.dma_semaphore, #tpu.memory_space<semaphore_mem>>) src(%arg8 : memref<125x64xbf16, #tpu.memory_space<vmem>>) dst(%dma_wait3A_63 : memref<125x64xbf16, #tpu.memory_space<vmem_shared>>)
      tpu.yield
    }) : () -> ()
    %mul3A_23 = arith.constant 640 : i32
    %mul3A_24 = arith.muli %arg1, %mul3A_23 : i32
    %add3A_25 = arith.constant 500 : i32
    %add3A_26 = arith.addi %mul3A_24, %add3A_25 : i32
    "tpu.region"() ({
      %run_scoped3A = tpu.sem_alloc : memref<!tpu.dma_semaphore, #tpu.memory_space<semaphore_mem>>
      %dma_start3A_57 = arith.constant 0 : i32
      %dma_start3A_58 = tpu.memref_slice %arg12[%add3A_26, %dma_start3A_57] : memref<10240x64xbf16, #tpu.memory_space<vmem_shared>> -> memref<125x64xbf16, #tpu.memory_space<vmem_shared>>
      %dma_start3A_59 = arith.constant 0 : i32
      %dma_start3A_60 = tpu.memref_slice %arg12[%add3A_26, %dma_start3A_59] : memref<10240x64xbf16, #tpu.memory_space<vmem_shared>> -> memref<125x64xbf16, #tpu.memory_space<vmem_shared>>
      tpu.enqueue_dma source(%arg8 : memref<125x64xbf16, #tpu.memory_space<vmem>>) target(%dma_start3A_60 : memref<125x64xbf16, #tpu.memory_space<vmem_shared>>) target_semaphore(%run_scoped3A : memref<!tpu.dma_semaphore, #tpu.memory_space<semaphore_mem>>)
      %dma_wait3A = arith.constant 0 : i32
      %dma_wait3A_61 = tpu.memref_slice %arg12[%add3A_26, %dma_wait3A] : memref<10240x64xbf16, #tpu.memory_space<vmem_shared>> -> memref<125x64xbf16, #tpu.memory_space<vmem_shared>>
      %dma_wait3A_62 = arith.constant 0 : i32
      %dma_wait3A_63 = tpu.memref_slice %arg12[%add3A_26, %dma_wait3A_62] : memref<10240x64xbf16, #tpu.memory_space<vmem_shared>> -> memref<125x64xbf16, #tpu.memory_space<vmem_shared>>
      tpu.wait_dma2 semaphore(%run_scoped3A : memref<!tpu.dma_semaphore, #tpu.memory_space<semaphore_mem>>) src(%arg8 : memref<125x64xbf16, #tpu.memory_space<vmem>>) dst(%dma_wait3A_63 : memref<125x64xbf16, #tpu.memory_space<vmem_shared>>)
      tpu.yield
    }) : () -> ()
    %mul3A_27 = arith.constant 640 : i32
    %mul3A_28 = arith.muli %arg1, %mul3A_27 : i32
    %add3A_29 = arith.constant 625 : i32
    %add3A_30 = arith.addi %mul3A_28, %add3A_29 : i32
    "tpu.region"() ({
      %run_scoped3A = tpu.sem_alloc : memref<!tpu.dma_semaphore, #tpu.memory_space<semaphore_mem>>
      %dma_start3A_57 = arith.constant 0 : i32
      %dma_start3A_58 = arith.constant 0 : i32
      %dma_start3A_59 = tpu.memref_slice %arg8[%dma_start3A_57, %dma_start3A_58] : memref<125x64xbf16, #tpu.memory_space<vmem>> -> memref<15x64xbf16, #tpu.memory_space<vmem>>
      %dma_start3A_60 = arith.constant 0 : i32
      %dma_start3A_61 = tpu.memref_slice %arg12[%add3A_30, %dma_start3A_60] : memref<10240x64xbf16, #tpu.memory_space<vmem_shared>> -> memref<15x64xbf16, #tpu.memory_space<vmem_shared>>
      %dma_start3A_62 = arith.constant 0 : i32
      %dma_start3A_63 = tpu.memref_slice %arg12[%add3A_30, %dma_start3A_62] : memref<10240x64xbf16, #tpu.memory_space<vmem_shared>> -> memref<15x64xbf16, #tpu.memory_space<vmem_shared>>
      %dma_start3A_64 = arith.constant 0 : i32
      %dma_start3A_65 = arith.constant 0 : i32
      %dma_start3A_66 = tpu.memref_slice %arg8[%dma_start3A_64, %dma_start3A_65] : memref<125x64xbf16, #tpu.memory_space<vmem>> -> memref<15x64xbf16, #tpu.memory_space<vmem>>
      tpu.enqueue_dma source(%dma_start3A_66 : memref<15x64xbf16, #tpu.memory_space<vmem>>) target(%dma_start3A_63 : memref<15x64xbf16, #tpu.memory_space<vmem_shared>>) target_semaphore(%run_scoped3A : memref<!tpu.dma_semaphore, #tpu.memory_space<semaphore_mem>>)
      %dma_wait3A = arith.constant 0 : i32
      %dma_wait3A_67 = arith.constant 0 : i32
      %dma_wait3A_68 = tpu.memref_slice %arg8[%dma_wait3A, %dma_wait3A_67] : memref<125x64xbf16, #tpu.memory_space<vmem>> -> memref<15x64xbf16, #tpu.memory_space<vmem>>
      %dma_wait3A_69 = arith.constant 0 : i32
      %dma_wait3A_70 = tpu.memref_slice %arg12[%add3A_30, %dma_wait3A_69] : memref<10240x64xbf16, #tpu.memory_space<vmem_shared>> -> memref<15x64xbf16, #tpu.memory_space<vmem_shared>>
      %dma_wait3A_71 = arith.constant 0 : i32
      %dma_wait3A_72 = tpu.memref_slice %arg12[%add3A_30, %dma_wait3A_71] : memref<10240x64xbf16, #tpu.memory_space<vmem_shared>> -> memref<15x64xbf16, #tpu.memory_space<vmem_shared>>
      %dma_wait3A_73 = arith.constant 0 : i32
      %dma_wait3A_74 = arith.constant 0 : i32
      %dma_wait3A_75 = tpu.memref_slice %arg8[%dma_wait3A_73, %dma_wait3A_74] : memref<125x64xbf16, #tpu.memory_space<vmem>> -> memref<15x64xbf16, #tpu.memory_space<vmem>>
      tpu.wait_dma2 semaphore(%run_scoped3A : memref<!tpu.dma_semaphore, #tpu.memory_space<semaphore_mem>>) src(%dma_wait3A_75 : memref<15x64xbf16, #tpu.memory_space<vmem>>) dst(%dma_wait3A_72 : memref<15x64xbf16, #tpu.memory_space<vmem_shared>>)
      tpu.yield
    }) : () -> ()
    %barrier3A = arith.constant 0 : index
    tpu.barrier barrier_id(%barrier3A)
    %mul3A_31 = arith.constant 40 : i32
    %mul3A_32 = arith.muli %add3A, %mul3A_31 : i32
    "tpu.region"() ({
      %run_scoped3A = tpu.sem_alloc : memref<!tpu.dma_semaphore, #tpu.memory_space<semaphore_mem>>
      %dma_start3A_57 = arith.constant 0 : i32
      %dma_start3A_58 = tpu.memref_slice %arg3[%mul3A_32, %dma_start3A_57] : memref<1280x125xi32, #tpu.memory_space<hbm>> -> memref<40x125xi32, #tpu.memory_space<hbm>>
      %dma_start3A_59 = arith.constant 0 : i32
      %dma_start3A_60 = tpu.memref_slice %arg3[%mul3A_32, %dma_start3A_59] : memref<1280x125xi32, #tpu.memory_space<hbm>> -> memref<40x125xi32, #tpu.memory_space<hbm>>
      tpu.enqueue_dma source(%dma_start3A_60 : memref<40x125xi32, #tpu.memory_space<hbm>>) target(%arg6 : memref<40x125xi32, #tpu.memory_space<vmem>>) target_semaphore(%run_scoped3A : memref<!tpu.dma_semaphore, #tpu.memory_space<semaphore_mem>>)
      %dma_wait3A = arith.constant 0 : i32
      %dma_wait3A_61 = tpu.memref_slice %arg3[%mul3A_32, %dma_wait3A] : memref<1280x125xi32, #tpu.memory_space<hbm>> -> memref<40x125xi32, #tpu.memory_space<hbm>>
      %dma_wait3A_62 = arith.constant 0 : i32
      %dma_wait3A_63 = tpu.memref_slice %arg3[%mul3A_32, %dma_wait3A_62] : memref<1280x125xi32, #tpu.memory_space<hbm>> -> memref<40x125xi32, #tpu.memory_space<hbm>>
      tpu.wait_dma2 semaphore(%run_scoped3A : memref<!tpu.dma_semaphore, #tpu.memory_space<semaphore_mem>>) src(%dma_wait3A_63 : memref<40x125xi32, #tpu.memory_space<hbm>>) dst(%arg6 : memref<40x125xi32, #tpu.memory_space<vmem>>)
      tpu.yield
    }) : () -> ()
    "tpu.region"() ({
      %run_scoped3A = tpu.sem_alloc : memref<!tpu.dma_semaphore, #tpu.memory_space<semaphore_mem>>
      %dma_start3A_57 = arith.constant 0 : i32
      %dma_start3A_58 = tpu.memref_slice %arg4[%mul3A_32, %dma_start3A_57] : memref<1280x125xi32, #tpu.memory_space<hbm>> -> memref<40x125xi32, #tpu.memory_space<hbm>>
      %dma_start3A_59 = arith.constant 0 : i32
      %dma_start3A_60 = tpu.memref_slice %arg4[%mul3A_32, %dma_start3A_59] : memref<1280x125xi32, #tpu.memory_space<hbm>> -> memref<40x125xi32, #tpu.memory_space<hbm>>
      tpu.enqueue_dma source(%dma_start3A_60 : memref<40x125xi32, #tpu.memory_space<hbm>>) target(%arg7 : memref<40x125xi32, #tpu.memory_space<vmem>>) target_semaphore(%run_scoped3A : memref<!tpu.dma_semaphore, #tpu.memory_space<semaphore_mem>>)
      %dma_wait3A = arith.constant 0 : i32
      %dma_wait3A_61 = tpu.memref_slice %arg4[%mul3A_32, %dma_wait3A] : memref<1280x125xi32, #tpu.memory_space<hbm>> -> memref<40x125xi32, #tpu.memory_space<hbm>>
      %dma_wait3A_62 = arith.constant 0 : i32
      %dma_wait3A_63 = tpu.memref_slice %arg4[%mul3A_32, %dma_wait3A_62] : memref<1280x125xi32, #tpu.memory_space<hbm>> -> memref<40x125xi32, #tpu.memory_space<hbm>>
      tpu.wait_dma2 semaphore(%run_scoped3A : memref<!tpu.dma_semaphore, #tpu.memory_space<semaphore_mem>>) src(%dma_wait3A_63 : memref<40x125xi32, #tpu.memory_space<hbm>>) dst(%arg7 : memref<40x125xi32, #tpu.memory_space<vmem>>)
      tpu.yield
    }) : () -> ()
    %dma_start3A = arith.constant 0 : i32
    %dma_start3A_33 = arith.constant 0 : i32
    %dma_start3A_34 = tpu.memref_slice %arg6[%dma_start3A, %dma_start3A_33] : memref<40x125xi32, #tpu.memory_space<vmem>> -> memref<1x125xi32, #tpu.memory_space<vmem>>
    %dma_start3A_35 = tpu.memref_squeeze %dma_start3A_34 : memref<1x125xi32, #tpu.memory_space<vmem>> -> memref<125xi32, #tpu.memory_space<vmem>>
    %dma_start3A_36 = arith.constant 0 : i32
    %dma_start3A_37 = arith.constant 0 : i32
    %dma_start3A_38 = tpu.memref_slice %arg2[%dma_start3A_36, %dma_start3A_37] : memref<10000x64xbf16, #tpu.memory_space<hbm>> -> memref<10000x64xbf16, #tpu.memory_space<hbm>>
    tpu.enqueue_indirect_dma source(%dma_start3A_38 : memref<10000x64xbf16, #tpu.memory_space<hbm>>) target(%arg8 : memref<125x64xbf16, #tpu.memory_space<vmem>>) offsets(%dma_start3A_35 : memref<125xi32, #tpu.memory_space<vmem>>) semaphore(%arg10 : memref<!tpu.dma_semaphore, #tpu.memory_space<semaphore_mem>>)
    %dma_start3A_39 = arith.constant 1 : i32
    %dma_start3A_40 = arith.constant 0 : i32
    %dma_start3A_41 = tpu.memref_slice %arg6[%dma_start3A_39, %dma_start3A_40] : memref<40x125xi32, #tpu.memory_space<vmem>> -> memref<1x125xi32, #tpu.memory_space<vmem>>
    %dma_start3A_42 = tpu.memref_squeeze %dma_start3A_41 : memref<1x125xi32, #tpu.memory_space<vmem>> -> memref<125xi32, #tpu.memory_space<vmem>>
    %dma_start3A_43 = arith.constant 0 : i32
    %dma_start3A_44 = arith.constant 0 : i32
    %dma_start3A_45 = tpu.memref_slice %arg2[%dma_start3A_43, %dma_start3A_44] : memref<10000x64xbf16, #tpu.memory_space<hbm>> -> memref<10000x64xbf16, #tpu.memory_space<hbm>>
    tpu.enqueue_indirect_dma source(%dma_start3A_45 : memref<10000x64xbf16, #tpu.memory_space<hbm>>) target(%arg9 : memref<125x64xbf16, #tpu.memory_space<vmem>>) offsets(%dma_start3A_42 : memref<125xi32, #tpu.memory_space<vmem>>) semaphore(%arg11 : memref<!tpu.dma_semaphore, #tpu.memory_space<semaphore_mem>>)
    %scan3A_46 = arith.constant 0 : i32
    %scan3A_47 = arith.constant 0 : i32
    %scan3A_48 = arith.constant 20 : i32
    %scan3A_49 = arith.addi %scan3A_47, %scan3A_48 : i32
    %scan3A_50 = arith.constant 1 : i32
    scf.for %scan3A_57 = %scan3A_47 to %scan3A_49 step %scan3A_50  : i32 {
      %mul3A_58 = arith.constant 2 : i32
      %mul3A_59 = arith.muli %mul3A_58, %scan3A_57 : i32
      %dma_wait3A = arith.constant 0 : i32
      %dma_wait3A_60 = tpu.memref_slice %arg6[%mul3A_59, %dma_wait3A] : memref<40x125xi32, #tpu.memory_space<vmem>> -> memref<1x125xi32, #tpu.memory_space<vmem>>
      %dma_wait3A_61 = tpu.memref_squeeze %dma_wait3A_60 : memref<1x125xi32, #tpu.memory_space<vmem>> -> memref<125xi32, #tpu.memory_space<vmem>>
      %dma_wait3A_62 = arith.constant 0 : i32
      %dma_wait3A_63 = arith.constant 0 : i32
      %dma_wait3A_64 = tpu.memref_slice %arg2[%dma_wait3A_62, %dma_wait3A_63] : memref<10000x64xbf16, #tpu.memory_space<hbm>> -> memref<10000x64xbf16, #tpu.memory_space<hbm>>
      tpu.wait_indirect_dma semaphore(%arg10 : memref<!tpu.dma_semaphore, #tpu.memory_space<semaphore_mem>>) src(%dma_wait3A_64 : memref<10000x64xbf16, #tpu.memory_space<hbm>>) dst(%arg8 : memref<125x64xbf16, #tpu.memory_space<vmem>>)
      %mul3A_65 = arith.constant 2 : i32
      %mul3A_66 = arith.muli %mul3A_65, %scan3A_57 : i32
      "tpu.region"() ({
        %run_scoped3A = tpu.sem_alloc : memref<!tpu.dma_semaphore, #tpu.memory_space<semaphore_mem>>
        %dma_start3A_88 = arith.constant 0 : i32
        %dma_start3A_89 = tpu.memref_slice %arg7[%mul3A_66, %dma_start3A_88] : memref<40x125xi32, #tpu.memory_space<vmem>> -> memref<1x125xi32, #tpu.memory_space<vmem>>
        %dma_start3A_90 = tpu.memref_squeeze %dma_start3A_89 : memref<1x125xi32, #tpu.memory_space<vmem>> -> memref<125xi32, #tpu.memory_space<vmem>>
        %dma_start3A_91 = arith.constant 0 : i32
        %dma_start3A_92 = arith.constant 0 : i32
        %dma_start3A_93 = tpu.memref_slice %arg12[%dma_start3A_91, %dma_start3A_92] : memref<10240x64xbf16, #tpu.memory_space<vmem_shared>> -> memref<10240x64xbf16, #tpu.memory_space<vmem_shared>>
        tpu.enqueue_indirect_dma source(%arg8 : memref<125x64xbf16, #tpu.memory_space<vmem>>) target(%dma_start3A_93 : memref<10240x64xbf16, #tpu.memory_space<vmem_shared>>) offsets(%dma_start3A_90 : memref<125xi32, #tpu.memory_space<vmem>>) semaphore(%run_scoped3A : memref<!tpu.dma_semaphore, #tpu.memory_space<semaphore_mem>>) {add = true}
        %dma_wait3A_94 = arith.constant 0 : i32
        %dma_wait3A_95 = tpu.memref_slice %arg7[%mul3A_66, %dma_wait3A_94] : memref<40x125xi32, #tpu.memory_space<vmem>> -> memref<1x125xi32, #tpu.memory_space<vmem>>
        %dma_wait3A_96 = tpu.memref_squeeze %dma_wait3A_95 : memref<1x125xi32, #tpu.memory_space<vmem>> -> memref<125xi32, #tpu.memory_space<vmem>>
        %dma_wait3A_97 = arith.constant 0 : i32
        %dma_wait3A_98 = arith.constant 0 : i32
        %dma_wait3A_99 = tpu.memref_slice %arg12[%dma_wait3A_97, %dma_wait3A_98] : memref<10240x64xbf16, #tpu.memory_space<vmem_shared>> -> memref<10240x64xbf16, #tpu.memory_space<vmem_shared>>
        tpu.wait_indirect_dma semaphore(%run_scoped3A : memref<!tpu.dma_semaphore, #tpu.memory_space<semaphore_mem>>) src(%arg8 : memref<125x64xbf16, #tpu.memory_space<vmem>>) dst(%dma_wait3A_99 : memref<10240x64xbf16, #tpu.memory_space<vmem_shared>>)
        tpu.yield
      }) : () -> ()
      %lt3A = arith.constant 19 : i32
      %lt3A_67 = arith.cmpi slt, %scan3A_57, %lt3A : i32
      %convert_element_type3A = arith.extui %lt3A_67 : i1 to i32
      %cond3A = arith.constant 0 : i32
      %cond3A_68 = arith.cmpi ne, %convert_element_type3A, %cond3A : i32
      scf.if %cond3A_68 {
        %mul3A_88 = arith.constant 2 : i32
        %mul3A_89 = arith.muli %mul3A_88, %scan3A_57 : i32
        %add3A_90 = arith.constant 2 : i32
        %add3A_91 = arith.addi %mul3A_89, %add3A_90 : i32
        %dma_start3A_92 = arith.constant 0 : i32
        %dma_start3A_93 = tpu.memref_slice %arg6[%add3A_91, %dma_start3A_92] : memref<40x125xi32, #tpu.memory_space<vmem>> -> memref<1x125xi32, #tpu.memory_space<vmem>>
        %dma_start3A_94 = tpu.memref_squeeze %dma_start3A_93 : memref<1x125xi32, #tpu.memory_space<vmem>> -> memref<125xi32, #tpu.memory_space<vmem>>
        %dma_start3A_95 = arith.constant 0 : i32
        %dma_start3A_96 = arith.constant 0 : i32
        %dma_start3A_97 = tpu.memref_slice %arg2[%dma_start3A_95, %dma_start3A_96] : memref<10000x64xbf16, #tpu.memory_space<hbm>> -> memref<10000x64xbf16, #tpu.memory_space<hbm>>
        tpu.enqueue_indirect_dma source(%dma_start3A_97 : memref<10000x64xbf16, #tpu.memory_space<hbm>>) target(%arg8 : memref<125x64xbf16, #tpu.memory_space<vmem>>) offsets(%dma_start3A_94 : memref<125xi32, #tpu.memory_space<vmem>>) semaphore(%arg10 : memref<!tpu.dma_semaphore, #tpu.memory_space<semaphore_mem>>)
      } else {
      }
      %mul3A_69 = arith.constant 2 : i32
      %mul3A_70 = arith.muli %mul3A_69, %scan3A_57 : i32
      %add3A_71 = arith.constant 1 : i32
      %add3A_72 = arith.addi %mul3A_70, %add3A_71 : i32
      %dma_wait3A_73 = arith.constant 0 : i32
      %dma_wait3A_74 = tpu.memref_slice %arg6[%add3A_72, %dma_wait3A_73] : memref<40x125xi32, #tpu.memory_space<vmem>> -> memref<1x125xi32, #tpu.memory_space<vmem>>
      %dma_wait3A_75 = tpu.memref_squeeze %dma_wait3A_74 : memref<1x125xi32, #tpu.memory_space<vmem>> -> memref<125xi32, #tpu.memory_space<vmem>>
      %dma_wait3A_76 = arith.constant 0 : i32
      %dma_wait3A_77 = arith.constant 0 : i32
      %dma_wait3A_78 = tpu.memref_slice %arg2[%dma_wait3A_76, %dma_wait3A_77] : memref<10000x64xbf16, #tpu.memory_space<hbm>> -> memref<10000x64xbf16, #tpu.memory_space<hbm>>
      tpu.wait_indirect_dma semaphore(%arg11 : memref<!tpu.dma_semaphore, #tpu.memory_space<semaphore_mem>>) src(%dma_wait3A_78 : memref<10000x64xbf16, #tpu.memory_space<hbm>>) dst(%arg9 : memref<125x64xbf16, #tpu.memory_space<vmem>>)
      %mul3A_79 = arith.constant 2 : i32
      %mul3A_80 = arith.muli %mul3A_79, %scan3A_57 : i32
      %add3A_81 = arith.constant 1 : i32
      %add3A_82 = arith.addi %mul3A_80, %add3A_81 : i32
      "tpu.region"() ({
        %run_scoped3A = tpu.sem_alloc : memref<!tpu.dma_semaphore, #tpu.memory_space<semaphore_mem>>
        %dma_start3A_88 = arith.constant 0 : i32
        %dma_start3A_89 = tpu.memref_slice %arg7[%add3A_82, %dma_start3A_88] : memref<40x125xi32, #tpu.memory_space<vmem>> -> memref<1x125xi32, #tpu.memory_space<vmem>>
        %dma_start3A_90 = tpu.memref_squeeze %dma_start3A_89 : memref<1x125xi32, #tpu.memory_space<vmem>> -> memref<125xi32, #tpu.memory_space<vmem>>
        %dma_start3A_91 = arith.constant 0 : i32
        %dma_start3A_92 = arith.constant 0 : i32
        %dma_start3A_93 = tpu.memref_slice %arg12[%dma_start3A_91, %dma_start3A_92] : memref<10240x64xbf16, #tpu.memory_space<vmem_shared>> -> memref<10240x64xbf16, #tpu.memory_space<vmem_shared>>
        tpu.enqueue_indirect_dma source(%arg9 : memref<125x64xbf16, #tpu.memory_space<vmem>>) target(%dma_start3A_93 : memref<10240x64xbf16, #tpu.memory_space<vmem_shared>>) offsets(%dma_start3A_90 : memref<125xi32, #tpu.memory_space<vmem>>) semaphore(%run_scoped3A : memref<!tpu.dma_semaphore, #tpu.memory_space<semaphore_mem>>) {add = true}
        %dma_wait3A_94 = arith.constant 0 : i32
        %dma_wait3A_95 = tpu.memref_slice %arg7[%add3A_82, %dma_wait3A_94] : memref<40x125xi32, #tpu.memory_space<vmem>> -> memref<1x125xi32, #tpu.memory_space<vmem>>
        %dma_wait3A_96 = tpu.memref_squeeze %dma_wait3A_95 : memref<1x125xi32, #tpu.memory_space<vmem>> -> memref<125xi32, #tpu.memory_space<vmem>>
        %dma_wait3A_97 = arith.constant 0 : i32
        %dma_wait3A_98 = arith.constant 0 : i32
        %dma_wait3A_99 = tpu.memref_slice %arg12[%dma_wait3A_97, %dma_wait3A_98] : memref<10240x64xbf16, #tpu.memory_space<vmem_shared>> -> memref<10240x64xbf16, #tpu.memory_space<vmem_shared>>
        tpu.wait_indirect_dma semaphore(%run_scoped3A : memref<!tpu.dma_semaphore, #tpu.memory_space<semaphore_mem>>) src(%arg9 : memref<125x64xbf16, #tpu.memory_space<vmem>>) dst(%dma_wait3A_99 : memref<10240x64xbf16, #tpu.memory_space<vmem_shared>>)
        tpu.yield
      }) : () -> ()
      %lt3A_83 = arith.constant 19 : i32
      %lt3A_84 = arith.cmpi slt, %scan3A_57, %lt3A_83 : i32
      %convert_element_type3A_85 = arith.extui %lt3A_84 : i1 to i32
      %cond3A_86 = arith.constant 0 : i32
      %cond3A_87 = arith.cmpi ne, %convert_element_type3A_85, %cond3A_86 : i32
      scf.if %cond3A_87 {
        %mul3A_88 = arith.constant 2 : i32
        %mul3A_89 = arith.muli %mul3A_88, %scan3A_57 : i32
        %add3A_90 = arith.constant 3 : i32
        %add3A_91 = arith.addi %mul3A_89, %add3A_90 : i32
        %dma_start3A_92 = arith.constant 0 : i32
        %dma_start3A_93 = tpu.memref_slice %arg6[%add3A_91, %dma_start3A_92] : memref<40x125xi32, #tpu.memory_space<vmem>> -> memref<1x125xi32, #tpu.memory_space<vmem>>
        %dma_start3A_94 = tpu.memref_squeeze %dma_start3A_93 : memref<1x125xi32, #tpu.memory_space<vmem>> -> memref<125xi32, #tpu.memory_space<vmem>>
        %dma_start3A_95 = arith.constant 0 : i32
        %dma_start3A_96 = arith.constant 0 : i32
        %dma_start3A_97 = tpu.memref_slice %arg2[%dma_start3A_95, %dma_start3A_96] : memref<10000x64xbf16, #tpu.memory_space<hbm>> -> memref<10000x64xbf16, #tpu.memory_space<hbm>>
        tpu.enqueue_indirect_dma source(%dma_start3A_97 : memref<10000x64xbf16, #tpu.memory_space<hbm>>) target(%arg9 : memref<125x64xbf16, #tpu.memory_space<vmem>>) offsets(%dma_start3A_94 : memref<125xi32, #tpu.memory_space<vmem>>) semaphore(%arg11 : memref<!tpu.dma_semaphore, #tpu.memory_space<semaphore_mem>>)
      } else {
      }
    }
    %scan3A_51 = arith.constant 20 : i32
    %barrier3A_52 = arith.constant 0 : index
    tpu.barrier barrier_id(%barrier3A_52)
    %mul3A_53 = arith.constant 640 : i32
    %mul3A_54 = arith.muli %arg1, %mul3A_53 : i32
    %mul3A_55 = arith.constant 640 : i32
    %mul3A_56 = arith.muli %arg1, %mul3A_55 : i32
    "tpu.region"() ({
      %run_scoped3A = tpu.sem_alloc : memref<!tpu.dma_semaphore, #tpu.memory_space<semaphore_mem>>
      %dma_start3A_57 = arith.constant 0 : i32
      %dma_start3A_58 = tpu.memref_slice %arg5[%arg0, %mul3A_56, %dma_start3A_57] : memref<2x10240x64xbf16, #tpu.memory_space<hbm>> -> memref<1x640x64xbf16, #tpu.memory_space<hbm>>
      %dma_start3A_59 = tpu.memref_squeeze %dma_start3A_58 : memref<1x640x64xbf16, #tpu.memory_space<hbm>> -> memref<640x64xbf16, #tpu.memory_space<hbm>>
      %dma_start3A_60 = arith.constant 0 : i32
      %dma_start3A_61 = tpu.memref_slice %arg12[%mul3A_54, %dma_start3A_60] : memref<10240x64xbf16, #tpu.memory_space<vmem_shared>> -> memref<640x64xbf16, #tpu.memory_space<vmem_shared>>
      tpu.enqueue_dma source(%dma_start3A_61 : memref<640x64xbf16, #tpu.memory_space<vmem_shared>>) target(%dma_start3A_59 : memref<640x64xbf16, #tpu.memory_space<hbm>>) target_semaphore(%run_scoped3A : memref<!tpu.dma_semaphore, #tpu.memory_space<semaphore_mem>>)
      %dma_wait3A = arith.constant 0 : i32
      %dma_wait3A_62 = tpu.memref_slice %arg5[%arg0, %mul3A_56, %dma_wait3A] : memref<2x10240x64xbf16, #tpu.memory_space<hbm>> -> memref<1x640x64xbf16, #tpu.memory_space<hbm>>
      %dma_wait3A_63 = tpu.memref_squeeze %dma_wait3A_62 : memref<1x640x64xbf16, #tpu.memory_space<hbm>> -> memref<640x64xbf16, #tpu.memory_space<hbm>>
      %dma_wait3A_64 = arith.constant 0 : i32
      %dma_wait3A_65 = tpu.memref_slice %arg12[%mul3A_54, %dma_wait3A_64] : memref<10240x64xbf16, #tpu.memory_space<vmem_shared>> -> memref<640x64xbf16, #tpu.memory_space<vmem_shared>>
      tpu.wait_dma2 semaphore(%run_scoped3A : memref<!tpu.dma_semaphore, #tpu.memory_space<semaphore_mem>>) src(%dma_wait3A_65 : memref<640x64xbf16, #tpu.memory_space<vmem_shared>>) dst(%dma_wait3A_63 : memref<640x64xbf16, #tpu.memory_space<hbm>>)
      tpu.yield
    }) : () -> ()
    return
  }
}

#map = affine_map<(d0, d1) -> (0, 0)>
module attributes {stable_mosaic.version = 14 : i64} {
  func.func @deg_kernel(%arg0: i32, %arg1: i32, %arg2: memref<1280x125xi32, #tpu.memory_space<hbm>>, %arg3: memref<2x10240xf32, #tpu.memory_space<hbm>>, %arg4: memref<40x125xi32, #tpu.memory_space<vmem>>, %arg5: memref<128xf32, #tpu.memory_space<vmem>>, %arg6: memref<640xf32, #tpu.memory_space<vmem>>, %arg7: memref<!tpu.dma_semaphore, #tpu.memory_space<semaphore_mem>>, %arg8: memref<10240xf32, #tpu.memory_space<vmem_shared>>) attributes {dimension_semantics = [#tpu.dimension_semantics<core_parallel>, #tpu.dimension_semantics<subcore_parallel>], iteration_bounds = array<i64: 2, 16>, scalar_prefetch = 0 : i64, scratch_operands = 5 : i64, tpu.core_type = #tpu.core_type<sc_vector_subcore>, window_params = [{transform_indices = #map}, {transform_indices = #map}]} {
    %mul3A = arith.constant 2 : i32
    %mul3A_0 = arith.muli %arg1, %mul3A : i32
    %add3A = arith.addi %mul3A_0, %arg0 : i32
    %broadcast_in_dim3A = arith.constant 0.000000e+00 : f32
    %broadcast_in_dim3A_1 = vector.broadcast %broadcast_in_dim3A : f32 to vector<16xf32>
    %broadcast_in_dim3A_2 = arith.constant 1.000000e+00 : f32
    %broadcast_in_dim3A_3 = vector.broadcast %broadcast_in_dim3A_2 : f32 to vector<16xf32>
    %scan3A = arith.constant 0 : i32
    %scan3A_4 = arith.constant 0 : i32
    %scan3A_5 = arith.constant 40 : i32
    %scan3A_6 = arith.addi %scan3A_4, %scan3A_5 : i32
    %scan3A_7 = arith.constant 1 : i32
    scf.for %scan3A_30 = %scan3A_4 to %scan3A_6 step %scan3A_7  : i32 {
      %mul3A_31 = arith.constant 16 : i32
      %mul3A_32 = arith.muli %scan3A_30, %mul3A_31 : i32
      %swap3A = arith.index_cast %mul3A_32 : i32 to index
      %swap3A_33 = tpu.vector_load %arg6[%swap3A] {strides = array<i32>} : memref<640xf32, #tpu.memory_space<vmem>>, vector<16xf32>,
      %swap3A_34 = vector.shape_cast %swap3A_33 : vector<16xf32> to vector<16xf32>
      %swap3A_35 = vector.shape_cast %broadcast_in_dim3A_1 : vector<16xf32> to vector<16xf32>
      tpu.vector_store %arg6[%swap3A], %swap3A_35 {strides = array<i32>} : memref<640xf32, #tpu.memory_space<vmem>>, vector<16xf32>,
    }
    %scan3A_8 = arith.constant 40 : i32
    %scan3A_9 = arith.constant 0 : i32
    %scan3A_10 = arith.constant 0 : i32
    %scan3A_11 = arith.constant 8 : i32
    %scan3A_12 = arith.addi %scan3A_10, %scan3A_11 : i32
    %scan3A_13 = arith.constant 1 : i32
    scf.for %scan3A_30 = %scan3A_10 to %scan3A_12 step %scan3A_13  : i32 {
      %mul3A_31 = arith.constant 16 : i32
      %mul3A_32 = arith.muli %scan3A_30, %mul3A_31 : i32
      %swap3A = arith.index_cast %mul3A_32 : i32 to index
      %swap3A_33 = tpu.vector_load %arg5[%swap3A] {strides = array<i32>} : memref<128xf32, #tpu.memory_space<vmem>>, vector<16xf32>,
      %swap3A_34 = vector.shape_cast %swap3A_33 : vector<16xf32> to vector<16xf32>
      %swap3A_35 = vector.shape_cast %broadcast_in_dim3A_3 : vector<16xf32> to vector<16xf32>
      tpu.vector_store %arg5[%swap3A], %swap3A_35 {strides = array<i32>} : memref<128xf32, #tpu.memory_space<vmem>>, vector<16xf32>,
    }
    %scan3A_14 = arith.constant 8 : i32
    %mul3A_15 = arith.constant 640 : i32
    %mul3A_16 = arith.muli %arg1, %mul3A_15 : i32
    "tpu.region"() ({
      %run_scoped3A = tpu.sem_alloc : memref<!tpu.dma_semaphore, #tpu.memory_space<semaphore_mem>>
      %dma_start3A = tpu.memref_slice %arg8[%mul3A_16] : memref<10240xf32, #tpu.memory_space<vmem_shared>> -> memref<640xf32, #tpu.memory_space<vmem_shared>>
      %dma_start3A_30 = tpu.memref_slice %arg8[%mul3A_16] : memref<10240xf32, #tpu.memory_space<vmem_shared>> -> memref<640xf32, #tpu.memory_space<vmem_shared>>
      tpu.enqueue_dma source(%arg6 : memref<640xf32, #tpu.memory_space<vmem>>) target(%dma_start3A_30 : memref<640xf32, #tpu.memory_space<vmem_shared>>) target_semaphore(%run_scoped3A : memref<!tpu.dma_semaphore, #tpu.memory_space<semaphore_mem>>)
      %dma_wait3A = tpu.memref_slice %arg8[%mul3A_16] : memref<10240xf32, #tpu.memory_space<vmem_shared>> -> memref<640xf32, #tpu.memory_space<vmem_shared>>
      %dma_wait3A_31 = tpu.memref_slice %arg8[%mul3A_16] : memref<10240xf32, #tpu.memory_space<vmem_shared>> -> memref<640xf32, #tpu.memory_space<vmem_shared>>
      tpu.wait_dma2 semaphore(%run_scoped3A : memref<!tpu.dma_semaphore, #tpu.memory_space<semaphore_mem>>) src(%arg6 : memref<640xf32, #tpu.memory_space<vmem>>) dst(%dma_wait3A_31 : memref<640xf32, #tpu.memory_space<vmem_shared>>)
      tpu.yield
    }) : () -> ()
    %barrier3A = arith.constant 0 : index
    tpu.barrier barrier_id(%barrier3A)
    %mul3A_17 = arith.constant 40 : i32
    %mul3A_18 = arith.muli %add3A, %mul3A_17 : i32
    "tpu.region"() ({
      %run_scoped3A = tpu.sem_alloc : memref<!tpu.dma_semaphore, #tpu.memory_space<semaphore_mem>>
      %dma_start3A = arith.constant 0 : i32
      %dma_start3A_30 = tpu.memref_slice %arg2[%mul3A_18, %dma_start3A] : memref<1280x125xi32, #tpu.memory_space<hbm>> -> memref<40x125xi32, #tpu.memory_space<hbm>>
      %dma_start3A_31 = arith.constant 0 : i32
      %dma_start3A_32 = tpu.memref_slice %arg2[%mul3A_18, %dma_start3A_31] : memref<1280x125xi32, #tpu.memory_space<hbm>> -> memref<40x125xi32, #tpu.memory_space<hbm>>
      tpu.enqueue_dma source(%dma_start3A_32 : memref<40x125xi32, #tpu.memory_space<hbm>>) target(%arg4 : memref<40x125xi32, #tpu.memory_space<vmem>>) target_semaphore(%run_scoped3A : memref<!tpu.dma_semaphore, #tpu.memory_space<semaphore_mem>>)
      %dma_wait3A = arith.constant 0 : i32
      %dma_wait3A_33 = tpu.memref_slice %arg2[%mul3A_18, %dma_wait3A] : memref<1280x125xi32, #tpu.memory_space<hbm>> -> memref<40x125xi32, #tpu.memory_space<hbm>>
      %dma_wait3A_34 = arith.constant 0 : i32
      %dma_wait3A_35 = tpu.memref_slice %arg2[%mul3A_18, %dma_wait3A_34] : memref<1280x125xi32, #tpu.memory_space<hbm>> -> memref<40x125xi32, #tpu.memory_space<hbm>>
      tpu.wait_dma2 semaphore(%run_scoped3A : memref<!tpu.dma_semaphore, #tpu.memory_space<semaphore_mem>>) src(%dma_wait3A_35 : memref<40x125xi32, #tpu.memory_space<hbm>>) dst(%arg4 : memref<40x125xi32, #tpu.memory_space<vmem>>)
      tpu.yield
    }) : () -> ()
    %scan3A_19 = arith.constant 0 : i32
    %scan3A_20 = arith.constant 0 : i32
    %scan3A_21 = arith.constant 40 : i32
    %scan3A_22 = arith.addi %scan3A_20, %scan3A_21 : i32
    %scan3A_23 = arith.constant 1 : i32
    scf.for %scan3A_30 = %scan3A_20 to %scan3A_22 step %scan3A_23  : i32 {
      "tpu.region"() ({
        %run_scoped3A = tpu.sem_alloc : memref<!tpu.dma_semaphore, #tpu.memory_space<semaphore_mem>>
        %dma_start3A = arith.constant 0 : i32
        %dma_start3A_31 = tpu.memref_slice %arg5[%dma_start3A] : memref<128xf32, #tpu.memory_space<vmem>> -> memref<125xf32, #tpu.memory_space<vmem>>
        %dma_start3A_32 = arith.constant 0 : i32
        %dma_start3A_33 = tpu.memref_slice %arg4[%scan3A_30, %dma_start3A_32] : memref<40x125xi32, #tpu.memory_space<vmem>> -> memref<1x125xi32, #tpu.memory_space<vmem>>
        %dma_start3A_34 = tpu.memref_squeeze %dma_start3A_33 : memref<1x125xi32, #tpu.memory_space<vmem>> -> memref<125xi32, #tpu.memory_space<vmem>>
        %dma_start3A_35 = arith.constant 0 : i32
        %dma_start3A_36 = tpu.memref_slice %arg8[%dma_start3A_35] : memref<10240xf32, #tpu.memory_space<vmem_shared>> -> memref<10240xf32, #tpu.memory_space<vmem_shared>>
        tpu.enqueue_indirect_dma source(%dma_start3A_31 : memref<125xf32, #tpu.memory_space<vmem>>) target(%dma_start3A_36 : memref<10240xf32, #tpu.memory_space<vmem_shared>>) offsets(%dma_start3A_34 : memref<125xi32, #tpu.memory_space<vmem>>) semaphore(%run_scoped3A : memref<!tpu.dma_semaphore, #tpu.memory_space<semaphore_mem>>) {add = true}
        %dma_wait3A = arith.constant 0 : i32
        %dma_wait3A_37 = tpu.memref_slice %arg5[%dma_wait3A] : memref<128xf32, #tpu.memory_space<vmem>> -> memref<125xf32, #tpu.memory_space<vmem>>
        %dma_wait3A_38 = arith.constant 0 : i32
        %dma_wait3A_39 = tpu.memref_slice %arg4[%scan3A_30, %dma_wait3A_38] : memref<40x125xi32, #tpu.memory_space<vmem>> -> memref<1x125xi32, #tpu.memory_space<vmem>>
        %dma_wait3A_40 = tpu.memref_squeeze %dma_wait3A_39 : memref<1x125xi32, #tpu.memory_space<vmem>> -> memref<125xi32, #tpu.memory_space<vmem>>
        %dma_wait3A_41 = arith.constant 0 : i32
        %dma_wait3A_42 = tpu.memref_slice %arg8[%dma_wait3A_41] : memref<10240xf32, #tpu.memory_space<vmem_shared>> -> memref<10240xf32, #tpu.memory_space<vmem_shared>>
        tpu.wait_indirect_dma semaphore(%run_scoped3A : memref<!tpu.dma_semaphore, #tpu.memory_space<semaphore_mem>>) src(%dma_wait3A_37 : memref<125xf32, #tpu.memory_space<vmem>>) dst(%dma_wait3A_42 : memref<10240xf32, #tpu.memory_space<vmem_shared>>)
        tpu.yield
      }) : () -> ()
    }
    %scan3A_24 = arith.constant 40 : i32
    %barrier3A_25 = arith.constant 0 : index
    tpu.barrier barrier_id(%barrier3A_25)
    %mul3A_26 = arith.constant 640 : i32
    %mul3A_27 = arith.muli %arg1, %mul3A_26 : i32
    %mul3A_28 = arith.constant 640 : i32
    %mul3A_29 = arith.muli %arg1, %mul3A_28 : i32
    "tpu.region"() ({
      %run_scoped3A = tpu.sem_alloc : memref<!tpu.dma_semaphore, #tpu.memory_space<semaphore_mem>>
      %dma_start3A = tpu.memref_slice %arg3[%arg0, %mul3A_29] : memref<2x10240xf32, #tpu.memory_space<hbm>> -> memref<1x640xf32, #tpu.memory_space<hbm>>
      %dma_start3A_30 = tpu.memref_squeeze %dma_start3A : memref<1x640xf32, #tpu.memory_space<hbm>> -> memref<640xf32, #tpu.memory_space<hbm>>
      %dma_start3A_31 = tpu.memref_slice %arg8[%mul3A_27] : memref<10240xf32, #tpu.memory_space<vmem_shared>> -> memref<640xf32, #tpu.memory_space<vmem_shared>>
      tpu.enqueue_dma source(%dma_start3A_31 : memref<640xf32, #tpu.memory_space<vmem_shared>>) target(%dma_start3A_30 : memref<640xf32, #tpu.memory_space<hbm>>) target_semaphore(%run_scoped3A : memref<!tpu.dma_semaphore, #tpu.memory_space<semaphore_mem>>)
      %dma_wait3A = tpu.memref_slice %arg3[%arg0, %mul3A_29] : memref<2x10240xf32, #tpu.memory_space<hbm>> -> memref<1x640xf32, #tpu.memory_space<hbm>>
      %dma_wait3A_32 = tpu.memref_squeeze %dma_wait3A : memref<1x640xf32, #tpu.memory_space<hbm>> -> memref<640xf32, #tpu.memory_space<hbm>>
      %dma_wait3A_33 = tpu.memref_slice %arg8[%mul3A_27] : memref<10240xf32, #tpu.memory_space<vmem_shared>> -> memref<640xf32, #tpu.memory_space<vmem_shared>>
      tpu.wait_dma2 semaphore(%run_scoped3A : memref<!tpu.dma_semaphore, #tpu.memory_space<semaphore_mem>>) src(%dma_wait3A_33 : memref<640xf32, #tpu.memory_space<vmem_shared>>) dst(%dma_wait3A_32 : memref<640xf32, #tpu.memory_space<hbm>>)
      tpu.yield
    }) : () -> ()
    return
  }
}

module attributes {stable_mosaic.version = 14 : i64} {
  func.func @body(%arg0: i32, %arg1: memref<5000x384xf32, #tpu.memory_space<vmem>>, %arg2: memref<384x128xf32, #tpu.memory_space<vmem>>, %arg3: memref<5000x1xf32, #tpu.memory_space<vmem>>, %arg4: memref<5000x128xf32, #tpu.memory_space<vmem>>) attributes {dimension_semantics = [#tpu.dimension_semantics<arbitrary>], iteration_bounds = array<i64: 2>, scalar_prefetch = 0 : i64, scratch_operands = 0 : i64, tpu.core_type = #tpu.core_type<tc>, window_params = [{transform_indices = @transform_0, window_bounds = array<i64: 5000, 384>}, {pipeline_mode = #tpu.pipeline_mode<synchronous>, transform_indices = @transform_1, window_bounds = array<i64: 384, 128>}, {transform_indices = @transform_2, window_bounds = array<i64: 5000, 1>}, {transform_indices = @transform_3, window_bounds = array<i64: 5000, 128>}]} {
    %get3A = arith.constant 0 : index
    %get3A_0 = arith.constant 0 : index
    %get3A_1 = vector.load %arg1[%get3A, %get3A_0] : memref<5000x384xf32, #tpu.memory_space<vmem>>, vector<5000x384xf32>
    %get3A_2 = arith.constant 0 : index
    %get3A_3 = arith.constant 0 : index
    %get3A_4 = vector.load %arg2[%get3A_2, %get3A_3] : memref<384x128xf32, #tpu.memory_space<vmem>>, vector<384x128xf32>
    %dot_general3A = arith.constant dense<0.000000e+00> : vector<5000x128xf32>
    %dot_general3A_5 = tpu.matmul %get3A_1, %get3A_4, %dot_general3A {dimension_numbers = #tpu.dot_dimension_numbers<[1], [0], [0], [1], [0, 0, 1, 1], [], []>, transpose_lhs_hint = false} : vector<5000x384xf32>, vector<384x128xf32>, vector<5000x128xf32> -> vector<5000x128xf32>
    %get3A_6 = arith.constant 0 : index
    %get3A_7 = arith.constant 0 : index
    %get3A_8 = vector.load %arg3[%get3A_6, %get3A_7] : memref<5000x1xf32, #tpu.memory_space<vmem>>, vector<5000x1xf32>
    %mul3A = vector.broadcast %get3A_8 : vector<5000x1xf32> to vector<5000x128xf32>
    %mul3A_9 = arith.mulf %dot_general3A_5, %mul3A : vector<5000x128xf32>
    %swap3A = arith.constant 0 : index
    %swap3A_10 = arith.constant 0 : index
    %swap3A_11 = vector.load %arg4[%swap3A, %swap3A_10] : memref<5000x128xf32, #tpu.memory_space<vmem>>, vector<5000x128xf32>
    tpu.vector_store %arg4[%swap3A, %swap3A_10], %mul3A_9 {strides = array<i32>} : memref<5000x128xf32, #tpu.memory_space<vmem>>, vector<5000x128xf32>,
    return
  }
  func.func @transform_0(%arg0: i32) -> (i32, i32) {
    %c0_i32 = arith.constant 0 : i32
    %c0_i32_0 = arith.constant 0 : i32
    return %arg0, %c0_i32 : i32, i32
  }
  func.func @transform_1(%arg0: i32) -> (i32, i32) {
    %c0_i32 = arith.constant 0 : i32
    %c0_i32_0 = arith.constant 0 : i32
    %c0_i32_1 = arith.constant 0 : i32
    return %c0_i32, %c0_i32_0 : i32, i32
  }
  func.func @transform_2(%arg0: i32) -> (i32, i32) {
    %c0_i32 = arith.constant 0 : i32
    %c0_i32_0 = arith.constant 0 : i32
    return %arg0, %c0_i32 : i32, i32
  }
  func.func @transform_3(%arg0: i32) -> (i32, i32) {
    %c0_i32 = arith.constant 0 : i32
    %c0_i32_0 = arith.constant 0 : i32
    return %arg0, %c0_i32 : i32, i32
  }
}

module attributes {stable_mosaic.version = 14 : i64} {
  func.func @body(%arg0: i32, %arg1: memref<2x5000x128xf32, #tpu.memory_space<vmem>>, %arg2: memref<5000x128xf32, #tpu.memory_space<vmem>>, %arg3: memref<5000x1xf32, #tpu.memory_space<vmem>>, %arg4: memref<1x128xf32, #tpu.memory_space<vmem>>, %arg5: memref<128x64xf32, #tpu.memory_space<vmem>>, %arg6: memref<5000x64xbf16, #tpu.memory_space<vmem>>) attributes {dimension_semantics = [#tpu.dimension_semantics<arbitrary>], iteration_bounds = array<i64: 2>, scalar_prefetch = 0 : i64, scratch_operands = 0 : i64, tpu.core_type = #tpu.core_type<tc>, window_params = [{transform_indices = @transform_0, window_bounds = array<i64: 2, 5000, 128>}, {transform_indices = @transform_1, window_bounds = array<i64: 5000, 128>}, {transform_indices = @transform_2, window_bounds = array<i64: 5000, 1>}, {pipeline_mode = #tpu.pipeline_mode<synchronous>, transform_indices = @transform_3, window_bounds = array<i64: 1, 128>}, {pipeline_mode = #tpu.pipeline_mode<synchronous>, transform_indices = @transform_4, window_bounds = array<i64: 128, 64>}, {transform_indices = @transform_5, window_bounds = array<i64: 5000, 64>}]} {
    %get3A = arith.constant 0 : index
    %get3A_0 = arith.constant 0 : index
    %get3A_1 = arith.constant 0 : index
    %get3A_2 = vector.load %arg1[%get3A, %get3A_0, %get3A_1] : memref<2x5000x128xf32, #tpu.memory_space<vmem>>, vector<1x5000x128xf32>
    %get3A_3 = vector.shape_cast %get3A_2 : vector<1x5000x128xf32> to vector<5000x128xf32>
    %get3A_4 = arith.constant 1 : index
    %get3A_5 = arith.constant 0 : index
    %get3A_6 = arith.constant 0 : index
    %get3A_7 = vector.load %arg1[%get3A_4, %get3A_5, %get3A_6] : memref<2x5000x128xf32, #tpu.memory_space<vmem>>, vector<1x5000x128xf32>
    %get3A_8 = vector.shape_cast %get3A_7 : vector<1x5000x128xf32> to vector<5000x128xf32>
    %add3A = arith.addf %get3A_3, %get3A_8 : vector<5000x128xf32>
    %get3A_9 = arith.constant 0 : index
    %get3A_10 = arith.constant 0 : index
    %get3A_11 = vector.load %arg2[%get3A_9, %get3A_10] : memref<5000x128xf32, #tpu.memory_space<vmem>>, vector<5000x128xf32>
    %add3A_12 = arith.addf %add3A, %get3A_11 : vector<5000x128xf32>
    %get3A_13 = arith.constant 0 : index
    %get3A_14 = arith.constant 0 : index
    %get3A_15 = vector.load %arg3[%get3A_13, %get3A_14] : memref<5000x1xf32, #tpu.memory_space<vmem>>, vector<5000x1xf32>
    %mul3A = vector.broadcast %get3A_15 : vector<5000x1xf32> to vector<5000x128xf32>
    %mul3A_16 = arith.mulf %add3A_12, %mul3A : vector<5000x128xf32>
    %get3A_17 = arith.constant 0 : index
    %get3A_18 = arith.constant 0 : index
    %get3A_19 = vector.load %arg4[%get3A_17, %get3A_18] : memref<1x128xf32, #tpu.memory_space<vmem>>, vector<1x128xf32>
    %add3A_20 = vector.broadcast %get3A_19 : vector<1x128xf32> to vector<5000x128xf32>
    %add3A_21 = arith.addf %mul3A_16, %add3A_20 : vector<5000x128xf32>
    %max3A = arith.constant 0.000000e+00 : f32
    %max3A_22 = vector.broadcast %max3A : f32 to vector<5000x128xf32>
    %max3A_23 = arith.maximumf %add3A_21, %max3A_22 : vector<5000x128xf32>
    %get3A_24 = arith.constant 0 : index
    %get3A_25 = arith.constant 0 : index
    %get3A_26 = vector.load %arg5[%get3A_24, %get3A_25] : memref<128x64xf32, #tpu.memory_space<vmem>>, vector<128x64xf32>
    %dot_general3A = arith.constant dense<0.000000e+00> : vector<5000x64xf32>
    %dot_general3A_27 = tpu.matmul %max3A_23, %get3A_26, %dot_general3A {dimension_numbers = #tpu.dot_dimension_numbers<[1], [0], [0], [1], [0, 0, 1, 1], [], []>, transpose_lhs_hint = false} : vector<5000x128xf32>, vector<128x64xf32>, vector<5000x64xf32> -> vector<5000x64xf32>
    %mul3A_28 = vector.broadcast %get3A_15 : vector<5000x1xf32> to vector<5000x64xf32>
    %mul3A_29 = arith.mulf %dot_general3A_27, %mul3A_28 : vector<5000x64xf32>
    %convert_element_type3A = arith.truncf %mul3A_29 : vector<5000x64xf32> to vector<5000x64xbf16>
    %swap3A = arith.constant 0 : index
    %swap3A_30 = arith.constant 0 : index
    %swap3A_31 = vector.load %arg6[%swap3A, %swap3A_30] : memref<5000x64xbf16, #tpu.memory_space<vmem>>, vector<5000x64xbf16>
    tpu.vector_store %arg6[%swap3A, %swap3A_30], %convert_element_type3A {strides = array<i32>} : memref<5000x64xbf16, #tpu.memory_space<vmem>>, vector<5000x64xbf16>,
    return
  }
  func.func @transform_0(%arg0: i32) -> (i32, i32, i32) {
    %c0_i32 = arith.constant 0 : i32
    %c0_i32_0 = arith.constant 0 : i32
    %c0_i32_1 = arith.constant 0 : i32
    return %c0_i32, %arg0, %c0_i32_0 : i32, i32, i32
  }
  func.func @transform_1(%arg0: i32) -> (i32, i32) {
    %c0_i32 = arith.constant 0 : i32
    %c0_i32_0 = arith.constant 0 : i32
    return %arg0, %c0_i32 : i32, i32
  }
  func.func @transform_2(%arg0: i32) -> (i32, i32) {
    %c0_i32 = arith.constant 0 : i32
    %c0_i32_0 = arith.constant 0 : i32
    return %arg0, %c0_i32 : i32, i32
  }
  func.func @transform_3(%arg0: i32) -> (i32, i32) {
    %c0_i32 = arith.constant 0 : i32
    %c0_i32_0 = arith.constant 0 : i32
    %c0_i32_1 = arith.constant 0 : i32
    return %c0_i32, %c0_i32_0 : i32, i32
  }
  func.func @transform_4(%arg0: i32) -> (i32, i32) {
    %c0_i32 = arith.constant 0 : i32
    %c0_i32_0 = arith.constant 0 : i32
    %c0_i32_1 = arith.constant 0 : i32
    return %c0_i32, %c0_i32_0 : i32, i32
  }
  func.func @transform_5(%arg0: i32) -> (i32, i32) {
    %c0_i32 = arith.constant 0 : i32
    %c0_i32_0 = arith.constant 0 : i32
    return %arg0, %c0_i32 : i32, i32
  }
}

module attributes {stable_mosaic.version = 14 : i64} {
  func.func @body(%arg0: memref<2x10240x64xbf16, #tpu.memory_space<vmem>>, %arg1: memref<10000x64xbf16, #tpu.memory_space<vmem>>, %arg2: memref<10000x1xf32, #tpu.memory_space<vmem>>, %arg3: memref<1x64xf32, #tpu.memory_space<vmem>>, %arg4: memref<1x10000xi32, #tpu.memory_space<vmem>>, %arg5: memref<64x2xf32, #tpu.memory_space<vmem>>, %arg6: memref<1x2xf32, #tpu.memory_space<vmem>>, %arg7: memref<64x2xf32, #tpu.memory_space<vmem>>) attributes {dimension_semantics = [], scalar_prefetch = 0 : i64, scratch_operands = 0 : i64, tpu.core_type = #tpu.core_type<tc>} {
    %get3A = arith.constant 0 : index
    %get3A_0 = arith.constant 0 : index
    %get3A_1 = arith.constant 0 : index
    %get3A_2 = vector.load %arg0[%get3A, %get3A_0, %get3A_1] : memref<2x10240x64xbf16, #tpu.memory_space<vmem>>, vector<1x10000x64xbf16>
    %get3A_3 = vector.shape_cast %get3A_2 : vector<1x10000x64xbf16> to vector<10000x64xbf16>
    %convert_element_type3A = arith.extf %get3A_3 : vector<10000x64xbf16> to vector<10000x64xf32>
    %get3A_4 = arith.constant 1 : index
    %get3A_5 = arith.constant 0 : index
    %get3A_6 = arith.constant 0 : index
    %get3A_7 = vector.load %arg0[%get3A_4, %get3A_5, %get3A_6] : memref<2x10240x64xbf16, #tpu.memory_space<vmem>>, vector<1x10000x64xbf16>
    %get3A_8 = vector.shape_cast %get3A_7 : vector<1x10000x64xbf16> to vector<10000x64xbf16>
    %convert_element_type3A_9 = arith.extf %get3A_8 : vector<10000x64xbf16> to vector<10000x64xf32>
    %add3A = arith.addf %convert_element_type3A, %convert_element_type3A_9 : vector<10000x64xf32>
    %get3A_10 = arith.constant 0 : index
    %get3A_11 = arith.constant 0 : index
    %get3A_12 = vector.load %arg1[%get3A_10, %get3A_11] : memref<10000x64xbf16, #tpu.memory_space<vmem>>, vector<10000x64xbf16>
    %convert_element_type3A_13 = arith.extf %get3A_12 : vector<10000x64xbf16> to vector<10000x64xf32>
    %add3A_14 = arith.addf %add3A, %convert_element_type3A_13 : vector<10000x64xf32>
    %get3A_15 = arith.constant 0 : index
    %get3A_16 = arith.constant 0 : index
    %get3A_17 = vector.load %arg2[%get3A_15, %get3A_16] : memref<10000x1xf32, #tpu.memory_space<vmem>>, vector<10000x1xf32>
    %mul3A = vector.broadcast %get3A_17 : vector<10000x1xf32> to vector<10000x64xf32>
    %mul3A_18 = arith.mulf %add3A_14, %mul3A : vector<10000x64xf32>
    %get3A_19 = arith.constant 0 : index
    %get3A_20 = arith.constant 0 : index
    %get3A_21 = vector.load %arg3[%get3A_19, %get3A_20] : memref<1x64xf32, #tpu.memory_space<vmem>>, vector<1x64xf32>
    %add3A_22 = vector.broadcast %get3A_21 : vector<1x64xf32> to vector<10000x64xf32>
    %add3A_23 = arith.addf %mul3A_18, %add3A_22 : vector<10000x64xf32>
    %max3A = arith.constant 0.000000e+00 : f32
    %max3A_24 = vector.broadcast %max3A : f32 to vector<10000x64xf32>
    %max3A_25 = arith.maximumf %add3A_23, %max3A_24 : vector<10000x64xf32>
    %iota3A = tpu.iota {dimensions = array<i32: 0>} : vector<64x10000xi32>
    %get3A_26 = arith.constant 0 : index
    %get3A_27 = arith.constant 0 : index
    %get3A_28 = vector.load %arg4[%get3A_26, %get3A_27] : memref<1x10000xi32, #tpu.memory_space<vmem>>, vector<1x10000xi32>
    %eq3A = vector.broadcast %get3A_28 : vector<1x10000xi32> to vector<64x10000xi32>
    %eq3A_29 = arith.cmpi eq, %iota3A, %eq3A : vector<64x10000xi32>
    %convert_element_type3A_30 = arith.extui %eq3A_29 : vector<64x10000xi1> to vector<64x10000xi32>
    %convert_element_type3A_31 = arith.sitofp %convert_element_type3A_30 : vector<64x10000xi32> to vector<64x10000xf32>
    %dot_general3A = arith.constant dense<0.000000e+00> : vector<64x64xf32>
    %dot_general3A_32 = tpu.matmul %convert_element_type3A_31, %max3A_25, %dot_general3A {dimension_numbers = #tpu.dot_dimension_numbers<[1], [0], [0], [1], [0, 0, 1, 1], [], []>, transpose_lhs_hint = false} : vector<64x10000xf32>, vector<10000x64xf32>, vector<64x64xf32> -> vector<64x64xf32>
    %reduce_sum3A = arith.constant dense<0.000000e+00> : vector<64xf32>
    %reduce_sum3A_33 = vector.multi_reduction <add>, %convert_element_type3A_31, %reduce_sum3A [1] : vector<64x10000xf32> to vector<64xf32>
    %broadcast_in_dim3A = vector.shape_cast %reduce_sum3A_33 : vector<64xf32> to vector<64x1xf32>
    %max3A_34 = arith.constant 1.000000e+00 : f32
    %max3A_35 = vector.broadcast %max3A_34 : f32 to vector<64x1xf32>
    %max3A_36 = arith.maximumf %broadcast_in_dim3A, %max3A_35 : vector<64x1xf32>
    %div3A = vector.broadcast %max3A_36 : vector<64x1xf32> to vector<64x64xf32>
    %div3A_37 = arith.divf %dot_general3A_32, %div3A : vector<64x64xf32>
    %get3A_38 = arith.constant 0 : index
    %get3A_39 = arith.constant 0 : index
    %get3A_40 = vector.load %arg5[%get3A_38, %get3A_39] : memref<64x2xf32, #tpu.memory_space<vmem>>, vector<64x2xf32>
    %dot_general3A_41 = arith.constant dense<0.000000e+00> : vector<64x2xf32>
    %dot_general3A_42 = tpu.matmul %div3A_37, %get3A_40, %dot_general3A_41 {dimension_numbers = #tpu.dot_dimension_numbers<[1], [0], [0], [1], [0, 0, 1, 1], [], []>, transpose_lhs_hint = false} : vector<64x64xf32>, vector<64x2xf32>, vector<64x2xf32> -> vector<64x2xf32>
    %get3A_43 = arith.constant 0 : index
    %get3A_44 = arith.constant 0 : index
    %get3A_45 = vector.load %arg6[%get3A_43, %get3A_44] : memref<1x2xf32, #tpu.memory_space<vmem>>, vector<1x2xf32>
    %add3A_46 = vector.broadcast %get3A_45 : vector<1x2xf32> to vector<64x2xf32>
    %add3A_47 = arith.addf %dot_general3A_42, %add3A_46 : vector<64x2xf32>
    %swap3A = arith.constant 0 : index
    %swap3A_48 = arith.constant 0 : index
    %swap3A_49 = vector.load %arg7[%swap3A, %swap3A_48] : memref<64x2xf32, #tpu.memory_space<vmem>>, vector<64x2xf32>
    tpu.vector_store %arg7[%swap3A, %swap3A_48], %add3A_47 {strides = array<i32>} : memref<64x2xf32, #tpu.memory_space<vmem>>, vector<64x2xf32>,
    return
  }
}

</mosaic_0001>

<sc_bundles>
// kernel: kernel.11.cloned.1.call-start
scs
__scs_entry_jumppad:
0x0: {  	(pc) =	sbr.rel $0x88, $3  }
0x1: {  	(tag) =	ssettag $0x0;
	lr =	simm.s32 $0x1  }
0x2: {  	[smem:$0x3F98] =	sst lr;
	_ =	strace $0xD0000000  }
0x3: {  	_ = 	snop  }
0x4: {  	_ = 	snop  }
0x5: {  	_ = 	snop  }
0x6: {  	_ = 	snop  }
0x7: {  	_ = 	snop  }
__scs_overlays_trampoline_lowered:
0x8: {  	[smem:$0x3FA7] =	sst s0  }
0x9: {  	[smem:$0x3FA8] =	sst s1  }
0xa: {  	[smem:$0x3FA9] =	sst s2  }
0xb: {  	[smem:$0x3FAA] =	sst s3  }
0xc: {  	[smem:$0x3FAB] =	sst s4  }
0xd: {  	[smem:$0x3FAC] =	sst s5  }
0xe: {  	[smem:$0x3FAD] =	sst s6  }
0xf: {  	[smem:$0x3FAE] =	sst s7  }
0x10: {  	[smem:$0x3FAF] =	sst s8  }
0x11: {  	[smem:$0x3FB0] =	sst s9;
	s0 =	simm.s32 @!p0 $0x0  }
0x12: {  	s1 =	sld [smem:$0x3F96];
	s0 =	simm.s32 @p0 $0x1  }
0x13: {  	[smem:$0x3FB1] =	sst s0;
	s0 =	simm.s32 @!p1 $0x0  }
0x14: {  	s2 =	sld [smem:$0x3F95];
	s0 =	simm.s32 @p1 $0x1  }
0x15: {  	[smem:$0x3FB2] =	sst s0;
	s0 =	simm.s32 @!p2 $0x0  }
0x16: {  	s3 =	sld [smem:$0x3FDB];
	s0 =	simm.s32 @p2 $0x1  }
0x17: {  	s4 =	simm.s32 $0x1BF5;
	[smem:$0x3FB4] =	sst s0  }
0x18: {  	s0 =	sld [smem:$0x3F97];
	_ =	swait.ge [sflag:s4], $0x0  }
0x19: {  	s7 =	sld [smem:$0x3F98]  }
0x1a: {  	s8 =	sadd.s32 $0xFFFFE003, lr  }
0x1b: {  	s9 =	sadd.s32 $0xFFFFFEF7, lr;
	s5 =	simm.s32 $0xFFFFFFFF;
	p2 =	slt.u32 s8, $0xFFFFF086  }
0x1c: {  	p1 =	slt.u32 s9, $0xF7A;
	s5 =	simm.s32 @!p2 $0x0  }
0x1d: {  	s5 =	simm.s32 @p1 $0x1;
	p0 =	seq.s32 s7, s2  }
0x1e: {  	s7 =	smul.u32 @!p0 $0xF7A, s2;
	p2 =	seq.s32 @!p0 s5, $0x0  }
0x1f: {  	s9 =	smul.u32 $0xF7A, s1;
	s8 =	simm.s32 @!p0 $0x1BF5;
	p2 =	por !p2, p0  }
0x20: {  	[sflag:s8] =	ssyncset.s32 @!p0 $0xFFFFF086;
	s6 =	sadd.s32 @!p0 s3, s7;
	s7 =	simm.s32 @!p0 $0x108  }
0x21: {  	s3 =	sadd.s32 s3, s9;
	s6 =	sadd.s32 @!p0 $0x88, s6;
	s7 =	simm.s32 @p2 $0x1082  }
0x22: {  	[simem:s7], [sflag:s8] =	dma.local @!p0 [hbm:s6], $0xF7A  }
0x23: {  	s9 =	sor.u32 $0xD0000000, s2;
	s6 =	simm.s32 $0x108;
	_ =	swait.ge @!p0 [sflag:s8], $0x0  }
0x24: {  	s3 =	sadd.s32 $0x88, s3;
	s6 =	simm.s32 @!p1 $0x1082;
	[sflag:s4] =	ssyncset.s32 $0xFFFFF086  }
0x25: {  	[simem:s6], [sflag:s4] =	dma.local [hbm:s3], $0xF7A  }
0x26: {  	[smem:$0x3F98] =	sst s1;
	(tag) =	ssettag s2;
	_ =	strace s9  }
0x27: {  	s1 =	sld [smem:$0x3FA8]  }
0x28: {  	s2 =	sld [smem:$0x3FA9]  }
0x29: {  	s4 =	sld [smem:$0x3FAB]  }
0x2a: {  	p0 =	seq.s32 s5, $0x0;
	s5 =	sld [smem:$0x3FAC]  }
0x2b: {  	s6 =	sld [smem:$0x3FAD]  }
0x2c: {  	s7 =	sld [smem:$0x3FAE]  }
0x2d: {  	s3 =	simm.s32 $0x108;
	s8 =	sld [smem:$0x3FAF]  }
0x2e: {  	s3 =	simm.s32 @!p0 $0x1082;
	s9 =	sld [smem:$0x3FB0]  }
0x2f: {  	lr =	sadd.s32 s0, s3;
	s0 =	sld [smem:$0x3FA7]  }
0x30: {  	s3 =	sld [smem:$0x3FAA]  }
0x31: {  	[smem:$0x3FB3] =	sst s10  }
0x32: {  	s10 =	sld [smem:$0x3FB1];
	_ =	sdelay $0x3  }
0x33: {  	p0 =	seq.s32 s10, $0x1;
	s10 =	sld [smem:$0x3FB3];
	_ =	sdelay $0x3  }
0x34: {  	[smem:$0x3FB3] =	sst s10  }
0x35: {  	s10 =	sld [smem:$0x3FB2];
	_ =	sdelay $0x3  }
0x36: {  	p1 =	seq.s32 s10, $0x1;
	s10 =	sld [smem:$0x3FB3];
	_ =	sdelay $0x3  }
0x37: {  	[smem:$0x3FB3] =	sst s10  }
0x38: {  	s10 =	sld [smem:$0x3FB4]  }
0x39: {  	_ = 	snop;
	(pc) =	sbr.ind lr, $3  }
0x3a: {  	_ = 	snop  }
0x3b: {  	_ = 	snop  }
0x3c: {  	p2 =	seq.s32 s10, $0x1;
	s10 =	sld [smem:$0x3FB3]  }
0x3d: {  	_ =	shalt  }
0x3e: {  	_ =	shalt  }
0x3f: {  	_ =	shalt  }
0x40: {  	_ =	shalt  }
0x41: {  	_ =	shalt  }
0x42: {  	_ =	shalt  }
0x43: {  	_ =	shalt  }
0x44: {  	_ =	shalt  }
0x45: {  	_ =	shalt  }
0x46: {  	_ =	shalt  }
0x47: {  	_ =	shalt  }
0x48: {  	_ =	shalt  }
0x49: {  	_ =	shalt  }
0x4a: {  	_ =	shalt  }
0x4b: {  	_ =	shalt  }
0x4c: {  	_ =	shalt  }
0x4d: {  	_ =	shalt  }
0x4e: {  	_ =	shalt  }
0x4f: {  	_ =	shalt  }
0x50: {  	_ =	shalt  }
0x51: {  	_ =	shalt  }
0x52: {  	_ =	shalt  }
0x53: {  	_ =	shalt  }
0x54: {  	_ =	shalt  }
0x55: {  	_ =	shalt  }
0x56: {  	_ =	shalt  }
0x57: {  	_ =	shalt  }
0x58: {  	_ =	shalt  }
0x59: {  	_ =	shalt  }
0x5a: {  	_ =	shalt  }
0x5b: {  	_ =	shalt  }
0x5c: {  	_ =	shalt  }
0x5d: {  	_ =	shalt  }
0x5e: {  	_ =	shalt  }
0x5f: {  	_ =	shalt  }
0x60: {  	_ =	shalt  }
0x61: {  	_ =	shalt  }
0x62: {  	_ =	shalt  }
0x63: {  	_ =	shalt  }
0x64: {  	_ =	shalt  }
0x65: {  	_ =	shalt  }
0x66: {  	_ =	shalt  }
0x67: {  	_ =	shalt  }
0x68: {  	_ =	shalt  }
0x69: {  	_ =	shalt  }
0x6a: {  	_ =	shalt  }
0x6b: {  	_ =	shalt  }
0x6c: {  	_ =	shalt  }
0x6d: {  	_ =	shalt  }
0x6e: {  	_ =	shalt  }
0x6f: {  	_ =	shalt  }
0x70: {  	_ =	shalt  }
0x71: {  	_ =	shalt  }
0x72: {  	_ =	shalt  }
0x73: {  	_ =	shalt  }
0x74: {  	_ =	shalt  }
0x75: {  	_ =	shalt  }
0x76: {  	_ =	shalt  }
0x77: {  	_ =	shalt  }
0x78: {  	_ =	shalt  }
0x79: {  	_ =	shalt  }
0x7a: {  	_ =	shalt  }
0x7b: {  	_ =	shalt  }
0x7c: {  	_ =	shalt  }
0x7d: {  	_ =	shalt  }
0x7e: {  	_ =	shalt  }
0x7f: {  	_ =	shalt  }
0x80: {  	_ =	shalt  }
0x81: {  	_ =	shalt  }
0x82: {  	_ =	shalt  }
0x83: {  	_ =	shalt  }
0x84: {  	_ =	shalt  }
0x85: {  	_ =	shalt  }
0x86: {  	_ =	shalt  }
0x87: {  	_ =	shalt  }
.Lfunc_end0:
.L_simem_size_0:
called_computation.1_lowered:
.L_overlay_start_0:
0x88: {  	s2 =	sld [smem:$0x3FD9]  }
0x89: {  	s3 =	sld [smem:$0x3FFE];
	_ =	sdelay $0x1  }
0x8a: {  	s1 =	srdreg.scid  }
0x8b: {  	s0 =	sand.u32 $0x1, s1  }
0x8c: {  	s16 =	sshll.u32 s0, $0xA;
	s2 =	sadd.s32 s3, s2  }
0x8d: {  	s2 =	sadd.s32 s2, s16  }
0x8e: {  	[smem:$0x3FBF] =	sst s2  }
0x8f: {  	_ = 	snop  }
0x90: {  	(tm) =	ssettm $0x1  }
0x91: {  	s17 =	sld [smem:$0x3FFB];
	_ =	sdelay $0x3  }
0x92: {  	_ =	strace s17  }
0x93: {  	s2 =	sld [smem:$0x3FFC];
	_ =	sdelay $0x3  }
0x94: {  	_ =	strace s2  }
0x95: {  	s2 =	sld [smem:$0x3FFD];
	_ =	sdelay $0x3  }
0x96: {  	_ =	strace s2  }
0x97: {  	_ =	strace $0x8FFFFFFF  }
0x98: {  	s18 =	sld [smem:$0x3FDB];
	_ =	sdelay $0x1  }
0x99: {  	s19 =	simm.s32 $_scs_section_size  }
0x9a: {  	s4 =	simm.s32 $_size__tile_overlayer_lowered;
	s5 =	simm.s32 $_tile_overlayer_lowered  }
0x9b: {  	s22 =	simm.s32 $0x1BFF;
	s21 =	sshll.u32 s5, $0x1;
	s2 =	sadd.s32 s19, s18  }
0x9c: {  	s6 =	simm.s32 $0x0;
	s20 =	sshll.u32 s4, $0x1;
	s4 =	sadd.s32 s21, s2  }
0x9d: {  	[timem:s6], [sflag:s22] =	dma.local [hbm:s4], s20  }
0x9e: {  	_ =	swait.ge [sflag:s22], s20  }
0x9f: {  	s3 =	ssub.s32 $0x0, s20;
	[sflag:s22] =	ssyncset.done $0x0  }
0xa0: {  	[sflag:s22] =	ssyncadd.s32 s3;
	_ =	sdelay $0x1  }
0xa1: {  	s23 =	simm.s32 $0x1B8B  }
0xa2: {  	_ =	swait.ge [sflag:s23], $0x1  }
0xa3: {  	[sflag:s23] =	ssyncset.done $0x0  }
0xa4: {  	s25 =	simm.s32 $0x1B8E;
	s24 =	sld [smem:$0x3FFE];
	[sflag:s23] =	ssyncadd.s32 $0xFFFFFFFF  }
0xa5: {  	s26 =	simm.s32 $execute0_lowered;
	[smem:$0x3FD2] =	sst s25  }
0xa6: {  	s4 =	sshll.u32 s26, $0x1;
	_ =	strace $0x80000049;
	[dreg:$0x1] =	wrdreg $0xFFFFFFFF  }
0xa7: {  	s28 =	simm.s32 $_size_execute0_lowered;
	s2 =	sadd.s32 s2, s4;
	[dreg:$0x0] =	wrdreg $0x0  }
0xa8: {  	s4 =	sshll.u32 s28, $0x1;
	[dreg:$0x2] =	wrdreg s2  }
0xa9: {  	[dreg:$0x3] =	wrdreg s4  }
0xaa: {  	[dreg:$0x4] =	wrdreg $0xC0  }
0xab: {  	_ =	task [dreg:s6], $0x5FFFF  }
0xac: {  	[dreg:$0x1] =	wrdreg $0xFFFFFFFF  }
0xad: {  	[dreg:$0x0] =	wrdreg $0x60  }
0xae: {  	[dreg:$0x2] =	wrdreg s24  }
0xaf: {  	[dreg:$0x3] =	wrdreg $0xA5000  }
0xb0: {  	[dreg:$0x4] =	wrdreg $0x9  }
0xb1: {  	_ =	task.clear_ibuf [dreg:s6], $0x5FFFF;
	_ =	strace $0x90000049  }
0xb2: {  	s29 =	simm.s32 $0x9;
	_ =	strace $0x8000004B  }
0xb3: {  	_ =	swait.ge [sflag:s29], $0x1  }
0xb4: {  	[sflag:s29] =	ssyncadd.s32 $0xFFFFFFFF  }
0xb5: {  	_ =	strace $0x9000004B  }
0xb6: {  	_ =	sfence  }
0xb7: {  	s30 =	sld [smem:$0x0];
	_ =	sdelay $0x2  }
0xb8: {  	s31 =	sshll.u32 s1, $0xD;
	s1 =	sshrl.u32 s1, $0x2  }
0xb9: {  	s3 =	sand.u32 $0x4000, s31;
	s1 =	sadd.s32 s1, s30  }
0xba: {  	s0 =	sor.u32 s3, s0;
	s1 =	sshll.u32 s1, $0x11  }
0xbb: {  	s0 =	sor.u32 s1, s0  }
0xbc: {  	s0 =	sadd.s32 $0x8F2B, s0  }
0xbd: {  	[sflag:s0] =	ssyncadd.remote.s32 $0x1  }
0xbe: {  	_ =	sfence.sel $0xFFFF  }
0xbf: {  	[dreg:$0x0] =	wrdreg $0xFFFFFFFF;
	(pc) =	sbr.abs _section_cstart, $3  }
0xc0: {  	[dreg:$0x1] =	wrdreg $0xFFFFFFFF  }
0xc1: {  	_ =	task.clear_ibuf [dreg:s6], $0x2FFFF;
	_ =	strace $0x9FFFFFFF  }
0xc2: {  	(tm) =	ssettm $0x7FFFFFFF  }
0xc3: {  	_ =	shalt  }
tec
execute0_lowered:
.L_overlay_start_1:
0x0: {  	(tag) =	ssettag $0x1  }
0x1: {  	s1 =	srdreg.scid  }
0x2: {  	s0 =	stileid.u32;
	s6 =	rddreg [dreg:$0x0]  }
0x3: {  	s2 =	rddreg [dreg:$0x1];
	s3 =	simm.s32 $0x0;
	s15 =	simm.s32 $0x2800  }
0x4: {  	s16 =	simm.s32 $0x3;
	s17 =	simm.s32 $0x1400;
	s18 =	simm.s32 $0x7D  }
0x5: {  	s19 =	simm.s32 $0x80;
	s20 =	simm.s32 $0x6680;
	s21 =	simm.s32 $0x1  }
0x6: {  	s22 =	simm.s32 $0x2;
	s23 =	simm.s32 $0x2700;
	s24 =	simm.s32 $0x2780  }
0x7: {  	s5 =	sand.u32 $0x1, s1;
	s28 =	sshll.u32 s0, $0x1;
	s8 =	smul.u32 $0x14000, s0  }
0x8: {  	[smem:$0x7FF] =	sst s3;
	s10 =	smul.u32 $0x50000, s0;
	s4 =	sadd.s32 $0xC600, s6  }
0x9: {  	s1 =	sor.u32 s5, s28;
	s9 =	smul.u32 $0x140000, s5;
	s5 =	ssub.s32 $0x2, s5  }
0xa: {  	s7 =	smul.u32 $0x280, s1;
	s1 =	rddreg [dreg:$0x2];
	_ =	strace $0x8000004A  }
0xb: {  	s30 =	sshrl.u32 s10, $0x2;
	s31 =	sshrl.u32 s5, $0x1;
	s29 =	sadd.s32 s8, s9  }
0xc: {  	s10 =	sadd.s32 s30, s2;
	s14 =	ssub.s32 s5, s31;
	s5 =	sadd.s32 s8, s2  }
0xd: {  	s12 =	sadd.s32 s7, s6;
	s7 =	sshrl.u32 s29, $0x3;
	s8 =	sadd.s32 $0xBB80, s10  }
0xe: {  	s9 =	sadd.s32 $0xFA00, s10;
	s14 =	smax.u32 s14, $0x1;
	s13 =	sadd.s32 s7, s6  }
0xf: {  	s6 =	sadd.s32 $0x3E80, s10;
	s7 =	sadd.s32 $0x7D00, s10;
	s10 =	sadd.s32 $0x13880, s10  }
0x10: {  	v0 =	vimm.f32 $0.0e+00;
	s11 =	sadd.s32 $0x7600, s12;
	s12 =	sadd.s32 $0x1C00, s12;
	s13 =	sadd.s32 $0x33800, s13  }
.LBB2_1:
0x11: {  	s25 =	simm.s32 $0x0;
	s26 =	simm.s32 $0x200  }
.LBB2_2:
0x12: {  	p0 =	sne.s32 s26, $0xF800;
	[tilespmem:s25+$0x2870] =	vst v0  }
0x13: {  	[tilespmem:s25+$0x2800] =	vst v0  }
0x14: {  	[tilespmem:s25+$0x2810] =	vst v0  }
.Ltmp0:
0x15: {  	[tilespmem:s25+$0x2820] =	vst v0;
	(pc) =	sbr.rel @p0 .LBB2_2-.Ltmp0, $4  }
0x16: {  	[tilespmem:s25+$0x2830] =	vst v0  }
0x17: {  	[tilespmem:s25+$0x2840] =	vst v0  }
0x18: {  	[tilespmem:s25+$0x2850] =	vst v0  }
0x19: {  	[tilespmem:s25+$0x2860] =	vst v0;
	s25 =	sshra.s32 s26, $0x2;
	s26 =	sadd.s32 $0x200, s26  }
0x1a: {  	[tilespmem:s25+$0x2870] =	vst v0  }
0x1b: {  	[tilespmem:s25+$0x2800] =	vst v0  }
0x1c: {  	[tilespmem:s25+$0x2810] =	vst v0  }
0x1d: {  	[tilespmem:s25+$0x2820] =	vst v0  }
0x1e: {  	[tilespmem:s25+$0x2830] =	vst v0  }
0x1f: {  	[tilespmem:s25+$0x2840] =	vst v0  }
0x20: {  	[tilespmem:s25+$0x2850] =	vst v0  }
0x21: {  	[tilespmem:s25+$0x2860] =	vst v0  }
0x22: {  	[spmem:s5] =	stream.linear.scatter [tilespmem:s15], [sflag:$0x3], $0x3E80, $0x38;
	[tilespmem:$0x1E500] =	vst v63  }
0x23: {  	_ =	swait.ge [sflag:s16], $0x3E80  }
0x24: {  	[sflag:s16] =	ssyncset.done $0x0  }
0x25: {  	[sflag:s16] =	ssyncadd.s32 $0xFFFFC180  }
0x26: {  	[spmem:s6] =	stream.linear.scatter [tilespmem:s15], [sflag:$0x3], $0x3E80, $0x38;
	[tilespmem:$0x1E500] =	vst v63  }
0x27: {  	_ =	swait.ge [sflag:s16], $0x3E80  }
0x28: {  	[sflag:s16] =	ssyncset.done $0x0  }
0x29: {  	[sflag:s16] =	ssyncadd.s32 $0xFFFFC180  }
0x2a: {  	[spmem:s7] =	stream.linear.scatter [tilespmem:s15], [sflag:$0x3], $0x3E80, $0x38;
	[tilespmem:$0x1E500] =	vst v63  }
0x2b: {  	_ =	swait.ge [sflag:s16], $0x3E80  }
0x2c: {  	[sflag:s16] =	ssyncset.done $0x0  }
0x2d: {  	[sflag:s16] =	ssyncadd.s32 $0xFFFFC180  }
0x2e: {  	[spmem:s8] =	stream.linear.scatter [tilespmem:s15], [sflag:$0x3], $0x3E80, $0x38;
	[tilespmem:$0x1E500] =	vst v63  }
0x2f: {  	_ =	swait.ge [sflag:s16], $0x3E80  }
0x30: {  	[sflag:s16] =	ssyncset.done $0x0  }
0x31: {  	[sflag:s16] =	ssyncadd.s32 $0xFFFFC180  }
0x32: {  	[spmem:s9] =	stream.linear.scatter [tilespmem:s15], [sflag:$0x3], $0x3E80, $0x38;
	[tilespmem:$0x1E500] =	vst v63  }
0x33: {  	_ =	swait.ge [sflag:s16], $0x3E80  }
0x34: {  	[sflag:s16] =	ssyncset.done $0x0  }
0x35: {  	[sflag:s16] =	ssyncadd.s32 $0xFFFFC180  }
0x36: {  	[spmem:s10] =	stream.linear.scatter [tilespmem:s15], [sflag:$0x3], $0x780, $0x38;
	[tilespmem:$0x1E500] =	vst v63  }
0x37: {  	_ =	swait.ge [sflag:s16], $0x780  }
0x38: {  	[sflag:s16] =	ssyncset.done $0x0  }
0x39: {  	[sflag:s16] =	ssyncadd.s32 $0xFFFFF880  }
0x3a: {  	s28 =	simm.s32 $0x0;
	[bflag:$0x0] =	sbarrier.arrive $0xFFFF  }
0x3b: {  	[tilespmem:s28], [sflag:$0x3] =	stream.linear.gather [hbm4b:s11+s28], $0x1400, $0x38;
	[tilespmem:$0x1E500] =	vst v63  }
0x3c: {  	_ =	swait.ge [sflag:s16], $0x1400  }
0x3d: {  	[sflag:s16] =	ssyncset.done $0x0  }
0x3e: {  	[sflag:s16] =	ssyncadd.s32 $0xFFFFEC00  }
0x3f: {  	[tilespmem:s17], [sflag:$0x3] =	stream.linear.gather [hbm4b:s12+s28], $0x1400, $0x38;
	[tilespmem:$0x1E500] =	vst v63  }
0x40: {  	_ =	swait.ge [sflag:s16], $0x1400  }
0x41: {  	[sflag:s16] =	ssyncset.done $0x0  }
0x42: {  	[sflag:s16] =	ssyncadd.s32 $0xFFFFEC00  }
0x43: {  	[tilespmem:s15], [sflag:$0x1] =	stream.indirect.gather [hbm4b:s4+s18], $0x80, s28, s18, $0xb8;
	[tilespmem:$0x1E500] =	vst v63  }
0x44: {  	_ = 	snop  }
0x45: {  	[tilespmem:s20], [sflag:$0x2] =	stream.indirect.gather [hbm4b:s4+s18], $0x80, s19, s18, $0xb8;
	[tilespmem:$0x1E500] =	vst v63  }
0x46: {  	_ =	swait.ge [sflag:s21], $0x3E80  }
0x47: {  	[sflag:s21] =	ssyncset.done $0x0  }
0x48: {  	s29 =	simm.s32 $0x1400;
	[sflag:s21] =	ssyncadd.s32 $0xFFFFC180  }
0x49: {  	[spmem:s2] =	stream.indirect.scatter.add.f32 [tilespmem:s15], [sflag:$0x3], $0x80, s29, s18, $0xb8;
	[tilespmem:$0x1E500] =	vst v63  }
0x4a: {  	_ =	swait.ge [sflag:s16], $0x3E80  }
0x4b: {  	[sflag:s16] =	ssyncset.done $0x0  }
0x4c: {  	s30 =	simm.s32 $0x100;
	[sflag:s16] =	ssyncadd.s32 $0xFFFFC180  }
0x4d: {  	[tilespmem:s15], [sflag:$0x1] =	stream.indirect.gather [hbm4b:s4+s18], $0x80, s30, s18, $0xb8;
	[tilespmem:$0x1E500] =	vst v63  }
0x4e: {  	_ =	swait.ge [sflag:s22], $0x3E80  }
0x4f: {  	[sflag:s22] =	ssyncset.done $0x0  }
0x50: {  	s31 =	simm.s32 $0x1480;
	[sflag:s22] =	ssyncadd.s32 $0xFFFFC180  }
0x51: {  	[spmem:s2] =	stream.indirect.scatter.add.f32 [tilespmem:s20], [sflag:$0x3], $0x80, s31, s18, $0xb8;
	[tilespmem:$0x1E500] =	vst v63  }
0x52: {  	_ =	swait.ge [sflag:s16], $0x3E80  }
0x53: {  	[sflag:s16] =	ssyncset.done $0x0  }
0x54: {  	s25 =	simm.s32 $0x400;
	s26 =	simm.s32 $0x180;
	[sflag:s16] =	ssyncadd.s32 $0xFFFFC180  }
.LBB2_4:
0x55: {  	[tilespmem:s20], [sflag:$0x2] =	stream.indirect.gather [hbm4b:s4+s18], $0x80, s26, s18, $0xb8;
	[tilespmem:$0x1E500] =	vst v63  }
0x56: {  	s26 =	smov.u32 s25  }
0x57: {  	p0 =	sne.s32 s25, $0x4800;
	s25 =	sadd.s32 $0x400, s25;
	_ =	swait.ge [sflag:s21], $0x3E80  }
0x58: {  	s26 =	sshra.s32 s26, $0x2;
	[sflag:s21] =	ssyncset.done $0x0  }
0x59: {  	s28 =	sadd.s32 $0x1400, s26;
	[sflag:s21] =	ssyncadd.s32 $0xFFFFC180  }
0x5a: {  	[spmem:s2] =	stream.indirect.scatter.add.f32 [tilespmem:s15], [sflag:$0x3], $0x80, s28, s18, $0xb8;
	[tilespmem:$0x1E500] =	vst v63  }
0x5b: {  	_ =	swait.ge [sflag:s16], $0x3E80  }
0x5c: {  	[sflag:s16] =	ssyncset.done $0x0  }
0x5d: {  	s28 =	sadd.s32 $0x100, s26;
	[sflag:s16] =	ssyncadd.s32 $0xFFFFC180  }
0x5e: {  	[tilespmem:s15], [sflag:$0x1] =	stream.indirect.gather [hbm4b:s4+s18], $0x80, s28, s18, $0xb8;
	[tilespmem:$0x1E500] =	vst v63  }
0x5f: {  	_ =	swait.ge [sflag:s22], $0x3E80  }
0x60: {  	[sflag:s22] =	ssyncset.done $0x0  }
.Ltmp1:
0x61: {  	s28 =	sadd.s32 $0x1480, s26;
	[sflag:s22] =	ssyncadd.s32 $0xFFFFC180;
	(pc) =	sbr.rel @p0 .LBB2_4-.Ltmp1, $4  }
0x62: {  	[spmem:s2] =	stream.indirect.scatter.add.f32 [tilespmem:s20], [sflag:$0x3], $0x80, s28, s18, $0xb8;
	[tilespmem:$0x1E500] =	vst v63  }
0x63: {  	_ =	swait.ge [sflag:s16], $0x3E80  }
0x64: {  	[sflag:s16] =	ssyncset.done $0x0  }
0x65: {  	s26 =	sadd.s32 $0x180, s26;
	[sflag:s16] =	ssyncadd.s32 $0xFFFFC180  }
0x66: {  	[tilespmem:s20], [sflag:$0x2] =	stream.indirect.gather [hbm4b:s4+s18], $0x80, s26, s18, $0xb8;
	[tilespmem:$0x1E500] =	vst v63  }
0x67: {  	_ =	swait.ge [sflag:s21], $0x3E80  }
0x68: {  	[sflag:s21] =	ssyncset.done $0x0  }
0x69: {  	[sflag:s21] =	ssyncadd.s32 $0xFFFFC180  }
0x6a: {  	[spmem:s2] =	stream.indirect.scatter.add.f32 [tilespmem:s15], [sflag:$0x3], $0x80, s23, s18, $0xb8;
	[tilespmem:$0x1E500] =	vst v63  }
0x6b: {  	_ =	swait.ge [sflag:s16], $0x3E80  }
0x6c: {  	[sflag:s16] =	ssyncset.done $0x0  }
0x6d: {  	[sflag:s16] =	ssyncadd.s32 $0xFFFFC180  }
0x6e: {  	_ =	swait.ge [sflag:s22], $0x3E80  }
0x6f: {  	[sflag:s22] =	ssyncset.done $0x0  }
0x70: {  	[sflag:s22] =	ssyncadd.s32 $0xFFFFC180  }
0x71: {  	[spmem:s2] =	stream.indirect.scatter.add.f32 [tilespmem:s20], [sflag:$0x3], $0x80, s24, s18, $0xb8;
	[tilespmem:$0x1E500] =	vst v63  }
0x72: {  	_ =	swait.ge [sflag:s16], $0x3E80  }
0x73: {  	s25 =	sshll.u32 s0, $0x6;
	s3 =	sadd.s32 $0x1, s3;
	[sflag:s16] =	ssyncset.done $0x0  }
0x74: {  	s31 =	sshrl.u32 s5, $0x3;
	p0 =	sne.s32 s3, s14;
	[sflag:s16] =	ssyncadd.s32 $0xFFFFC180  }
.Ltmp2:
0x75: {  	s25 =	sor.u32 $0x1C03, s25;
	[bflag:$0x0] =	sbarrier.arrive $0xFFFF;
	(pc) =	sbr.rel @p0 .LBB2_1-.Ltmp2, $4  }
0x76: {  	[hbm:s13], [sflag:s25] =	dma.local [spmem:s31], $0x2800  }
0x77: {  	_ =	swait.ge [sflag:s16], $0x2800  }
0x78: {  	[sflag:s16] =	ssyncset.done $0x0  }
0x79: {  	[sflag:s16] =	ssyncadd.s32 $0xFFFFD800  }
0x7a: {  	_ =	sfence.sel $0x180000  }
0x7b: {  	[bflag:$0x0] =	sbarrier.arrive $0xFFFF  }
0x7c: {  	p0 =	sne.s32 s0, $0x0;
	_ =	strace $0x9000004A  }
0x7d: {  	s0 =	sadd.s32 @!p0 $0x100000, s1;
	[bflag:$0x2] =	sbarrier.arrive $0xFFFF  }
0x7e: {  	[sflag:s0] =	ssyncadd.tile.s32 @!p0 $0x1;
	_ =	shalt  }
.Lfunc_end2:
_tile_overlayer_lowered:
.L_overlay_start_2:
0x7f: {  	(tag) =	ssettag $0x2  }
0x80: {  	s0 =	rddreg [dreg:$0x0];
	s2 =	stileid.u32  }
0x81: {  	s1 =	rddreg [dreg:$0x1];
	p0 =	sne.s32 s2, $0x0  }
0x82: {  	s3 =	rddreg [dreg:$0x2];
	[bflag:$0x3] =	sbarrier.arrive $0xFFFF;
	s2 =	simm.s32 @!p0 $0x1C03  }
0x83: {  	[timem:s3], [sflag:s2] =	dma.local @!p0 [hbm:s0], s1  }
0x84: {  	s0 =	simm.s32 @!p0 $0x3  }
0x85: {  	_ =	swait.ge @!p0 [sflag:s0], s1  }
0x86: {  	s1 =	ssub.s32 @!p0 $0x0, s1;
	[sflag:s0] =	ssyncset.done @!p0 $0x0  }
0x87: {  	[sflag:s0] =	ssyncadd.s32 @!p0 s1  }
0x88: {  	[bflag:$0x3] =	sbarrier.arrive $0xFFFF  }
0x89: {  	_ =	shalt  }

// kernel: kernel.14.cloned.1.call-start
scs
__scs_entry_jumppad:
0x0: {  	(pc) =	sbr.rel $0x88, $3  }
0x1: {  	(tag) =	ssettag $0x0;
	lr =	simm.s32 $0x1  }
0x2: {  	[smem:$0x3F98] =	sst lr;
	_ =	strace $0xD0000000  }
0x3: {  	_ = 	snop  }
0x4: {  	_ = 	snop  }
0x5: {  	_ = 	snop  }
0x6: {  	_ = 	snop  }
0x7: {  	_ = 	snop  }
__scs_overlays_trampoline_lowered:
0x8: {  	[smem:$0x3FA7] =	sst s0  }
0x9: {  	[smem:$0x3FA8] =	sst s1  }
0xa: {  	[smem:$0x3FA9] =	sst s2  }
0xb: {  	[smem:$0x3FAA] =	sst s3  }
0xc: {  	[smem:$0x3FAB] =	sst s4  }
0xd: {  	[smem:$0x3FAC] =	sst s5  }
0xe: {  	[smem:$0x3FAD] =	sst s6  }
0xf: {  	[smem:$0x3FAE] =	sst s7  }
0x10: {  	[smem:$0x3FAF] =	sst s8  }
0x11: {  	[smem:$0x3FB0] =	sst s9;
	s0 =	simm.s32 @!p0 $0x0  }
0x12: {  	s1 =	sld [smem:$0x3F96];
	s0 =	simm.s32 @p0 $0x1  }
0x13: {  	[smem:$0x3FB1] =	sst s0;
	s0 =	simm.s32 @!p1 $0x0  }
0x14: {  	s2 =	sld [smem:$0x3F95];
	s0 =	simm.s32 @p1 $0x1  }
0x15: {  	[smem:$0x3FB2] =	sst s0;
	s0 =	simm.s32 @!p2 $0x0  }
0x16: {  	s3 =	sld [smem:$0x3FDB];
	s0 =	simm.s32 @p2 $0x1  }
0x17: {  	s4 =	simm.s32 $0x1BF5;
	[smem:$0x3FB4] =	sst s0  }
0x18: {  	s0 =	sld [smem:$0x3F97];
	_ =	swait.ge [sflag:s4], $0x0  }
0x19: {  	s7 =	sld [smem:$0x3F98]  }
0x1a: {  	s8 =	sadd.s32 $0xFFFFE003, lr  }
0x1b: {  	s9 =	sadd.s32 $0xFFFFFEF7, lr;
	s5 =	simm.s32 $0xFFFFFFFF;
	p2 =	slt.u32 s8, $0xFFFFF086  }
0x1c: {  	p1 =	slt.u32 s9, $0xF7A;
	s5 =	simm.s32 @!p2 $0x0  }
0x1d: {  	s5 =	simm.s32 @p1 $0x1;
	p0 =	seq.s32 s7, s2  }
0x1e: {  	s7 =	smul.u32 @!p0 $0xF7A, s2;
	p2 =	seq.s32 @!p0 s5, $0x0  }
0x1f: {  	s9 =	smul.u32 $0xF7A, s1;
	s8 =	simm.s32 @!p0 $0x1BF5;
	p2 =	por !p2, p0  }
0x20: {  	[sflag:s8] =	ssyncset.s32 @!p0 $0xFFFFF086;
	s6 =	sadd.s32 @!p0 s3, s7;
	s7 =	simm.s32 @!p0 $0x108  }
0x21: {  	s3 =	sadd.s32 s3, s9;
	s6 =	sadd.s32 @!p0 $0x88, s6;
	s7 =	simm.s32 @p2 $0x1082  }
0x22: {  	[simem:s7], [sflag:s8] =	dma.local @!p0 [hbm:s6], $0xF7A  }
0x23: {  	s9 =	sor.u32 $0xD0000000, s2;
	s6 =	simm.s32 $0x108;
	_ =	swait.ge @!p0 [sflag:s8], $0x0  }
0x24: {  	s3 =	sadd.s32 $0x88, s3;
	s6 =	simm.s32 @!p1 $0x1082;
	[sflag:s4] =	ssyncset.s32 $0xFFFFF086  }
0x25: {  	[simem:s6], [sflag:s4] =	dma.local [hbm:s3], $0xF7A  }
0x26: {  	[smem:$0x3F98] =	sst s1;
	(tag) =	ssettag s2;
	_ =	strace s9  }
0x27: {  	s1 =	sld [smem:$0x3FA8]  }
0x28: {  	s2 =	sld [smem:$0x3FA9]  }
0x29: {  	s4 =	sld [smem:$0x3FAB]  }
0x2a: {  	p0 =	seq.s32 s5, $0x0;
	s5 =	sld [smem:$0x3FAC]  }
0x2b: {  	s6 =	sld [smem:$0x3FAD]  }
0x2c: {  	s7 =	sld [smem:$0x3FAE]  }
0x2d: {  	s3 =	simm.s32 $0x108;
	s8 =	sld [smem:$0x3FAF]  }
0x2e: {  	s3 =	simm.s32 @!p0 $0x1082;
	s9 =	sld [smem:$0x3FB0]  }
0x2f: {  	lr =	sadd.s32 s0, s3;
	s0 =	sld [smem:$0x3FA7]  }
0x30: {  	s3 =	sld [smem:$0x3FAA]  }
0x31: {  	[smem:$0x3FB3] =	sst s10  }
0x32: {  	s10 =	sld [smem:$0x3FB1];
	_ =	sdelay $0x3  }
0x33: {  	p0 =	seq.s32 s10, $0x1;
	s10 =	sld [smem:$0x3FB3];
	_ =	sdelay $0x3  }
0x34: {  	[smem:$0x3FB3] =	sst s10  }
0x35: {  	s10 =	sld [smem:$0x3FB2];
	_ =	sdelay $0x3  }
0x36: {  	p1 =	seq.s32 s10, $0x1;
	s10 =	sld [smem:$0x3FB3];
	_ =	sdelay $0x3  }
0x37: {  	[smem:$0x3FB3] =	sst s10  }
0x38: {  	s10 =	sld [smem:$0x3FB4]  }
0x39: {  	_ = 	snop;
	(pc) =	sbr.ind lr, $3  }
0x3a: {  	_ = 	snop  }
0x3b: {  	_ = 	snop  }
0x3c: {  	p2 =	seq.s32 s10, $0x1;
	s10 =	sld [smem:$0x3FB3]  }
0x3d: {  	_ =	shalt  }
0x3e: {  	_ =	shalt  }
0x3f: {  	_ =	shalt  }
0x40: {  	_ =	shalt  }
0x41: {  	_ =	shalt  }
0x42: {  	_ =	shalt  }
0x43: {  	_ =	shalt  }
0x44: {  	_ =	shalt  }
0x45: {  	_ =	shalt  }
0x46: {  	_ =	shalt  }
0x47: {  	_ =	shalt  }
0x48: {  	_ =	shalt  }
0x49: {  	_ =	shalt  }
0x4a: {  	_ =	shalt  }
0x4b: {  	_ =	shalt  }
0x4c: {  	_ =	shalt  }
0x4d: {  	_ =	shalt  }
0x4e: {  	_ =	shalt  }
0x4f: {  	_ =	shalt  }
0x50: {  	_ =	shalt  }
0x51: {  	_ =	shalt  }
0x52: {  	_ =	shalt  }
0x53: {  	_ =	shalt  }
0x54: {  	_ =	shalt  }
0x55: {  	_ =	shalt  }
0x56: {  	_ =	shalt  }
0x57: {  	_ =	shalt  }
0x58: {  	_ =	shalt  }
0x59: {  	_ =	shalt  }
0x5a: {  	_ =	shalt  }
0x5b: {  	_ =	shalt  }
0x5c: {  	_ =	shalt  }
0x5d: {  	_ =	shalt  }
0x5e: {  	_ =	shalt  }
0x5f: {  	_ =	shalt  }
0x60: {  	_ =	shalt  }
0x61: {  	_ =	shalt  }
0x62: {  	_ =	shalt  }
0x63: {  	_ =	shalt  }
0x64: {  	_ =	shalt  }
0x65: {  	_ =	shalt  }
0x66: {  	_ =	shalt  }
0x67: {  	_ =	shalt  }
0x68: {  	_ =	shalt  }
0x69: {  	_ =	shalt  }
0x6a: {  	_ =	shalt  }
0x6b: {  	_ =	shalt  }
0x6c: {  	_ =	shalt  }
0x6d: {  	_ =	shalt  }
0x6e: {  	_ =	shalt  }
0x6f: {  	_ =	shalt  }
0x70: {  	_ =	shalt  }
0x71: {  	_ =	shalt  }
0x72: {  	_ =	shalt  }
0x73: {  	_ =	shalt  }
0x74: {  	_ =	shalt  }
0x75: {  	_ =	shalt  }
0x76: {  	_ =	shalt  }
0x77: {  	_ =	shalt  }
0x78: {  	_ =	shalt  }
0x79: {  	_ =	shalt  }
0x7a: {  	_ =	shalt  }
0x7b: {  	_ =	shalt  }
0x7c: {  	_ =	shalt  }
0x7d: {  	_ =	shalt  }
0x7e: {  	_ =	shalt  }
0x7f: {  	_ =	shalt  }
0x80: {  	_ =	shalt  }
0x81: {  	_ =	shalt  }
0x82: {  	_ =	shalt  }
0x83: {  	_ =	shalt  }
0x84: {  	_ =	shalt  }
0x85: {  	_ =	shalt  }
0x86: {  	_ =	shalt  }
0x87: {  	_ =	shalt  }
.Lfunc_end0:
.L_simem_size_0:
called_computation.2_lowered:
.L_overlay_start_0:
0x88: {  	s2 =	sld [smem:$0x3FD9]  }
0x89: {  	s3 =	sld [smem:$0x3FFE];
	_ =	sdelay $0x1  }
0x8a: {  	s1 =	srdreg.scid  }
0x8b: {  	s0 =	sand.u32 $0x1, s1  }
0x8c: {  	s16 =	sshll.u32 s0, $0xA;
	s2 =	sadd.s32 s3, s2  }
0x8d: {  	s2 =	sadd.s32 s2, s16  }
0x8e: {  	[smem:$0x3FBF] =	sst s2  }
0x8f: {  	_ = 	snop  }
0x90: {  	(tm) =	ssettm $0x1  }
0x91: {  	s17 =	sld [smem:$0x3FFB];
	_ =	sdelay $0x3  }
0x92: {  	_ =	strace s17  }
0x93: {  	s2 =	sld [smem:$0x3FFC];
	_ =	sdelay $0x3  }
0x94: {  	_ =	strace s2  }
0x95: {  	s2 =	sld [smem:$0x3FFD];
	_ =	sdelay $0x3  }
0x96: {  	_ =	strace s2  }
0x97: {  	_ =	strace $0x8FFFFFFF  }
0x98: {  	s18 =	sld [smem:$0x3FDB];
	_ =	sdelay $0x1  }
0x99: {  	s19 =	simm.s32 $_scs_section_size  }
0x9a: {  	s4 =	simm.s32 $_size__tile_overlayer_lowered;
	s5 =	simm.s32 $_tile_overlayer_lowered  }
0x9b: {  	s22 =	simm.s32 $0x1BFF;
	s21 =	sshll.u32 s5, $0x1;
	s2 =	sadd.s32 s19, s18  }
0x9c: {  	s6 =	simm.s32 $0x0;
	s20 =	sshll.u32 s4, $0x1;
	s4 =	sadd.s32 s21, s2  }
0x9d: {  	[timem:s6], [sflag:s22] =	dma.local [hbm:s4], s20  }
0x9e: {  	_ =	swait.ge [sflag:s22], s20  }
0x9f: {  	s3 =	ssub.s32 $0x0, s20;
	[sflag:s22] =	ssyncset.done $0x0  }
0xa0: {  	[sflag:s22] =	ssyncadd.s32 s3;
	_ =	sdelay $0x1  }
0xa1: {  	s23 =	simm.s32 $0x1B8B  }
0xa2: {  	_ =	swait.ge [sflag:s23], $0x1  }
0xa3: {  	[sflag:s23] =	ssyncset.done $0x0  }
0xa4: {  	s25 =	simm.s32 $0x1B8E;
	s24 =	sld [smem:$0x3FFE];
	[sflag:s23] =	ssyncadd.s32 $0xFFFFFFFF  }
0xa5: {  	s26 =	simm.s32 $execute0_lowered;
	[smem:$0x3FD2] =	sst s25  }
0xa6: {  	s4 =	sshll.u32 s26, $0x1;
	_ =	strace $0x8000004C;
	[dreg:$0x1] =	wrdreg $0xFFFFFFFF  }
0xa7: {  	s28 =	simm.s32 $_size_execute0_lowered;
	s2 =	sadd.s32 s2, s4;
	[dreg:$0x0] =	wrdreg $0x0  }
0xa8: {  	s4 =	sshll.u32 s28, $0x1;
	[dreg:$0x2] =	wrdreg s2  }
0xa9: {  	[dreg:$0x3] =	wrdreg s4  }
0xaa: {  	[dreg:$0x4] =	wrdreg $0xC0  }
0xab: {  	_ =	task [dreg:s6], $0x5FFFF  }
0xac: {  	[dreg:$0x1] =	wrdreg $0xFFFFFFFF  }
0xad: {  	[dreg:$0x0] =	wrdreg $0x60  }
0xae: {  	[dreg:$0x2] =	wrdreg s24  }
0xaf: {  	[dreg:$0x3] =	wrdreg $0x47400  }
0xb0: {  	[dreg:$0x4] =	wrdreg $0x9  }
0xb1: {  	_ =	task.clear_ibuf [dreg:s6], $0x5FFFF;
	_ =	strace $0x9000004C  }
0xb2: {  	s29 =	simm.s32 $0x9;
	_ =	strace $0x8000004E  }
0xb3: {  	_ =	swait.ge [sflag:s29], $0x1  }
0xb4: {  	[sflag:s29] =	ssyncadd.s32 $0xFFFFFFFF  }
0xb5: {  	_ =	strace $0x9000004E  }
0xb6: {  	_ =	sfence  }
0xb7: {  	s30 =	sld [smem:$0x0];
	_ =	sdelay $0x2  }
0xb8: {  	s31 =	sshll.u32 s1, $0xD;
	s1 =	sshrl.u32 s1, $0x2  }
0xb9: {  	s3 =	sand.u32 $0x4000, s31;
	s1 =	sadd.s32 s1, s30  }
0xba: {  	s0 =	sor.u32 s3, s0;
	s1 =	sshll.u32 s1, $0x11  }
0xbb: {  	s0 =	sor.u32 s1, s0  }
0xbc: {  	s0 =	sadd.s32 $0x8F2B, s0  }
0xbd: {  	[sflag:s0] =	ssyncadd.remote.s32 $0x1  }
0xbe: {  	_ =	sfence.sel $0xFFFF  }
0xbf: {  	[dreg:$0x0] =	wrdreg $0xFFFFFFFF;
	(pc) =	sbr.abs _section_cstart, $3  }
0xc0: {  	[dreg:$0x1] =	wrdreg $0xFFFFFFFF  }
0xc1: {  	_ =	task.clear_ibuf [dreg:s6], $0x2FFFF;
	_ =	strace $0x9FFFFFFF  }
0xc2: {  	(tm) =	ssettm $0x7FFFFFFF  }
0xc3: {  	_ =	shalt  }
tec
execute0_lowered:
.L_overlay_start_1:
0x0: {  	(tag) =	ssettag $0x1  }
0x1: {  	s5 =	rddreg [dreg:$0x0]  }
0x2: {  	s2 =	rddreg [dreg:$0x1]  }
0x3: {  	s0 =	rddreg [dreg:$0x2];
	s3 =	srdreg.scid  }
0x4: {  	s1 =	stileid.u32;
	s15 =	simm.s32 $0x2800;
	s16 =	simm.s32 $0x3  }
0x5: {  	s17 =	simm.s32 $0x1400;
	s18 =	simm.s32 $0x7D;
	s19 =	simm.s32 $0x80  }
0x6: {  	s20 =	simm.s32 $0x37A0;
	s21 =	simm.s32 $0x1;
	s22 =	simm.s32 $0x2  }
0x7: {  	s23 =	simm.s32 $0x2700;
	s24 =	simm.s32 $0x2780;
	s7 =	smul.u32 $0xA000, s1  }
0x8: {  	s6 =	sand.u32 $0x1, s3;
	s4 =	sshll.u32 s1, $0x1;
	s10 =	smul.u32 $0x14000, s1  }
0x9: {  	s3 =	simm.s32 $0x0;
	s4 =	sor.u32 s6, s4;
	s8 =	smul.u32 $0xA0000, s6  }
0xa: {  	[smem:$0x7FF] =	sst s3;
	s29 =	ssub.s32 $0x2, s6;
	s9 =	smul.u32 $0x280, s4  }
0xb: {  	_ =	strace $0x8000004D;
	s4 =	sadd.s32 $0xC600, s5;
	s30 =	sshrl.u32 s10, $0x2  }
0xc: {  	s31 =	sshrl.u32 s29, $0x1;
	s8 =	sadd.s32 s7, s8;
	s7 =	sshrl.u32 s7, $0x1  }
0xd: {  	s10 =	sadd.s32 s30, s2;
	s14 =	ssub.s32 s29, s31;
	s12 =	sadd.s32 s9, s5  }
0xe: {  	s8 =	sshrl.u32 s8, $0x4;
	s6 =	sadd.s32 $0xFA0, s10;
	s9 =	sadd.s32 $0x3E80, s10  }
0xf: {  	s14 =	smax.u32 s14, $0x1;
	s13 =	sadd.s32 s8, s5;
	s5 =	sadd.s32 s7, s2  }
0x10: {  	s7 =	sadd.s32 $0x1F40, s10;
	s8 =	sadd.s32 $0x2EE0, s10;
	s10 =	sadd.s32 $0x4E20, s10  }
0x11: {  	v0 =	vimm.bf16 $0.0e+00;
	s11 =	sadd.s32 $0x7600, s12;
	s12 =	sadd.s32 $0x1C00, s12;
	s13 =	sadd.s32 $0x16400, s13  }
.LBB2_1:
0x12: {  	s25 =	simm.s32 $0x80;
	s26 =	simm.s32 $0x0  }
.LBB2_2:
0x13: {  	p0 =	sne.s32 s25, $0x3E00;
	[tilespmem:s26+$0x2800] =	vst v0;
	s28 =	smov.u32 s25;
	s25 =	sadd.s32 $0x80, s25  }
.Ltmp0:
0x14: {  	[tilespmem:s26+$0x2810] =	vst v0;
	(pc) =	sbr.rel @p0 .LBB2_2-.Ltmp0, $2  }
0x15: {  	_ =	sdelay $0x2  }
0x16: {  	s26 =	sshra.s32 s28, $0x2  }
0x17: {  	[tilespmem:s26+$0x2800] =	vst v0  }
0x18: {  	[tilespmem:s26+$0x2810] =	vst v0  }
0x19: {  	[spmem:s5] =	stream.linear.scatter [tilespmem:s15], [sflag:$0x3], $0xFA0, $0x38;
	[tilespmem:$0x9740] =	vst v63  }
0x1a: {  	_ =	swait.ge [sflag:s16], $0xFA0  }
0x1b: {  	[sflag:s16] =	ssyncset.done $0x0  }
0x1c: {  	[sflag:s16] =	ssyncadd.s32 $0xFFFFF060  }
0x1d: {  	[spmem:s6] =	stream.linear.scatter [tilespmem:s15], [sflag:$0x3], $0xFA0, $0x38;
	[tilespmem:$0x9740] =	vst v63  }
0x1e: {  	_ =	swait.ge [sflag:s16], $0xFA0  }
0x1f: {  	[sflag:s16] =	ssyncset.done $0x0  }
0x20: {  	[sflag:s16] =	ssyncadd.s32 $0xFFFFF060  }
0x21: {  	[spmem:s7] =	stream.linear.scatter [tilespmem:s15], [sflag:$0x3], $0xFA0, $0x38;
	[tilespmem:$0x9740] =	vst v63  }
0x22: {  	_ =	swait.ge [sflag:s16], $0xFA0  }
0x23: {  	[sflag:s16] =	ssyncset.done $0x0  }
0x24: {  	[sflag:s16] =	ssyncadd.s32 $0xFFFFF060  }
0x25: {  	[spmem:s8] =	stream.linear.scatter [tilespmem:s15], [sflag:$0x3], $0xFA0, $0x38;
	[tilespmem:$0x9740] =	vst v63  }
0x26: {  	_ =	swait.ge [sflag:s16], $0xFA0  }
0x27: {  	[sflag:s16] =	ssyncset.done $0x0  }
0x28: {  	[sflag:s16] =	ssyncadd.s32 $0xFFFFF060  }
0x29: {  	[spmem:s9] =	stream.linear.scatter [tilespmem:s15], [sflag:$0x3], $0xFA0, $0x38;
	[tilespmem:$0x9740] =	vst v63  }
0x2a: {  	_ =	swait.ge [sflag:s16], $0xFA0  }
0x2b: {  	[sflag:s16] =	ssyncset.done $0x0  }
0x2c: {  	[sflag:s16] =	ssyncadd.s32 $0xFFFFF060  }
0x2d: {  	[spmem:s10] =	stream.linear.scatter [tilespmem:s15], [sflag:$0x3], $0x1E0, $0x38;
	[tilespmem:$0x9740] =	vst v63  }
0x2e: {  	_ =	swait.ge [sflag:s16], $0x1E0  }
0x2f: {  	[sflag:s16] =	ssyncset.done $0x0  }
0x30: {  	[sflag:s16] =	ssyncadd.s32 $0xFFFFFE20  }
0x31: {  	s25 =	simm.s32 $0x0;
	[bflag:$0x0] =	sbarrier.arrive $0xFFFF  }
0x32: {  	[tilespmem:s25], [sflag:$0x3] =	stream.linear.gather [hbm4b:s11+s25], $0x1400, $0x38;
	[tilespmem:$0x9740] =	vst v63  }
0x33: {  	_ =	swait.ge [sflag:s16], $0x1400  }
0x34: {  	[sflag:s16] =	ssyncset.done $0x0  }
0x35: {  	[sflag:s16] =	ssyncadd.s32 $0xFFFFEC00  }
0x36: {  	[tilespmem:s17], [sflag:$0x3] =	stream.linear.gather [hbm4b:s12+s25], $0x1400, $0x38;
	[tilespmem:$0x9740] =	vst v63  }
0x37: {  	_ =	swait.ge [sflag:s16], $0x1400  }
0x38: {  	[sflag:s16] =	ssyncset.done $0x0  }
0x39: {  	[sflag:s16] =	ssyncadd.s32 $0xFFFFEC00  }
0x3a: {  	[tilespmem:s15], [sflag:$0x1] =	stream.indirect.gather [hbm4b:s4+s18], $0x20, s25, s18, $0xb8;
	[tilespmem:$0x9740] =	vst v63  }
0x3b: {  	_ = 	snop  }
0x3c: {  	[tilespmem:s20], [sflag:$0x2] =	stream.indirect.gather [hbm4b:s4+s18], $0x20, s19, s18, $0xb8;
	[tilespmem:$0x9740] =	vst v63  }
0x3d: {  	_ =	swait.ge [sflag:s21], $0xFA0  }
0x3e: {  	[sflag:s21] =	ssyncset.done $0x0  }
0x3f: {  	s29 =	simm.s32 $0x1400;
	[sflag:s21] =	ssyncadd.s32 $0xFFFFF060  }
0x40: {  	[spmem:s2] =	stream.indirect.scatter.add.bf16 [tilespmem:s15], [sflag:$0x3], $0x20, s29, s18, $0xb8;
	[tilespmem:$0x9740] =	vst v63  }
0x41: {  	_ =	swait.ge [sflag:s16], $0xFA0  }
0x42: {  	[sflag:s16] =	ssyncset.done $0x0  }
0x43: {  	s30 =	simm.s32 $0x100;
	[sflag:s16] =	ssyncadd.s32 $0xFFFFF060  }
0x44: {  	[tilespmem:s15], [sflag:$0x1] =	stream.indirect.gather [hbm4b:s4+s18], $0x20, s30, s18, $0xb8;
	[tilespmem:$0x9740] =	vst v63  }
0x45: {  	_ =	swait.ge [sflag:s22], $0xFA0  }
0x46: {  	[sflag:s22] =	ssyncset.done $0x0  }
0x47: {  	s31 =	simm.s32 $0x1480;
	[sflag:s22] =	ssyncadd.s32 $0xFFFFF060  }
0x48: {  	[spmem:s2] =	stream.indirect.scatter.add.bf16 [tilespmem:s20], [sflag:$0x3], $0x20, s31, s18, $0xb8;
	[tilespmem:$0x9740] =	vst v63  }
0x49: {  	_ =	swait.ge [sflag:s16], $0xFA0  }
0x4a: {  	[sflag:s16] =	ssyncset.done $0x0  }
0x4b: {  	s26 =	simm.s32 $0x180;
	s25 =	simm.s32 $0x400;
	[sflag:s16] =	ssyncadd.s32 $0xFFFFF060  }
.LBB2_4:
0x4c: {  	[tilespmem:s20], [sflag:$0x2] =	stream.indirect.gather [hbm4b:s4+s18], $0x20, s26, s18, $0xb8;
	[tilespmem:$0x9740] =	vst v63  }
0x4d: {  	s26 =	smov.u32 s25  }
0x4e: {  	p0 =	sne.s32 s25, $0x4800;
	s25 =	sadd.s32 $0x400, s25;
	_ =	swait.ge [sflag:s21], $0xFA0  }
0x4f: {  	s26 =	sshra.s32 s26, $0x2;
	[sflag:s21] =	ssyncset.done $0x0  }
0x50: {  	s28 =	sadd.s32 $0x1400, s26;
	[sflag:s21] =	ssyncadd.s32 $0xFFFFF060  }
0x51: {  	[spmem:s2] =	stream.indirect.scatter.add.bf16 [tilespmem:s15], [sflag:$0x3], $0x20, s28, s18, $0xb8;
	[tilespmem:$0x9740] =	vst v63  }
0x52: {  	_ =	swait.ge [sflag:s16], $0xFA0  }
0x53: {  	[sflag:s16] =	ssyncset.done $0x0  }
0x54: {  	s28 =	sadd.s32 $0x100, s26;
	[sflag:s16] =	ssyncadd.s32 $0xFFFFF060  }
0x55: {  	[tilespmem:s15], [sflag:$0x1] =	stream.indirect.gather [hbm4b:s4+s18], $0x20, s28, s18, $0xb8;
	[tilespmem:$0x9740] =	vst v63  }
0x56: {  	_ =	swait.ge [sflag:s22], $0xFA0  }
0x57: {  	[sflag:s22] =	ssyncset.done $0x0  }
.Ltmp1:
0x58: {  	s28 =	sadd.s32 $0x1480, s26;
	[sflag:s22] =	ssyncadd.s32 $0xFFFFF060;
	(pc) =	sbr.rel @p0 .LBB2_4-.Ltmp1, $4  }
0x59: {  	[spmem:s2] =	stream.indirect.scatter.add.bf16 [tilespmem:s20], [sflag:$0x3], $0x20, s28, s18, $0xb8;
	[tilespmem:$0x9740] =	vst v63  }
0x5a: {  	_ =	swait.ge [sflag:s16], $0xFA0  }
0x5b: {  	[sflag:s16] =	ssyncset.done $0x0  }
0x5c: {  	s26 =	sadd.s32 $0x180, s26;
	[sflag:s16] =	ssyncadd.s32 $0xFFFFF060  }
0x5d: {  	[tilespmem:s20], [sflag:$0x2] =	stream.indirect.gather [hbm4b:s4+s18], $0x20, s26, s18, $0xb8;
	[tilespmem:$0x9740] =	vst v63  }
0x5e: {  	_ =	swait.ge [sflag:s21], $0xFA0  }
0x5f: {  	[sflag:s21] =	ssyncset.done $0x0  }
0x60: {  	[sflag:s21] =	ssyncadd.s32 $0xFFFFF060  }
0x61: {  	[spmem:s2] =	stream.indirect.scatter.add.bf16 [tilespmem:s15], [sflag:$0x3], $0x20, s23, s18, $0xb8;
	[tilespmem:$0x9740] =	vst v63  }
0x62: {  	_ =	swait.ge [sflag:s16], $0xFA0  }
0x63: {  	[sflag:s16] =	ssyncset.done $0x0  }
0x64: {  	[sflag:s16] =	ssyncadd.s32 $0xFFFFF060  }
0x65: {  	_ =	swait.ge [sflag:s22], $0xFA0  }
0x66: {  	[sflag:s22] =	ssyncset.done $0x0  }
0x67: {  	[sflag:s22] =	ssyncadd.s32 $0xFFFFF060  }
0x68: {  	[spmem:s2] =	stream.indirect.scatter.add.bf16 [tilespmem:s20], [sflag:$0x3], $0x20, s24, s18, $0xb8;
	[tilespmem:$0x9740] =	vst v63  }
0x69: {  	_ =	swait.ge [sflag:s16], $0xFA0  }
0x6a: {  	s25 =	sshll.u32 s1, $0x6;
	s3 =	sadd.s32 $0x1, s3;
	[sflag:s16] =	ssyncset.done $0x0  }
0x6b: {  	s31 =	sshrl.u32 s5, $0x3;
	p0 =	sne.s32 s3, s14;
	[sflag:s16] =	ssyncadd.s32 $0xFFFFF060  }
.Ltmp2:
0x6c: {  	s25 =	sor.u32 $0x1C03, s25;
	[bflag:$0x0] =	sbarrier.arrive $0xFFFF;
	(pc) =	sbr.rel @p0 .LBB2_1-.Ltmp2, $4  }
0x6d: {  	[hbm:s13], [sflag:s25] =	dma.local [spmem:s31], $0xA00  }
0x6e: {  	_ =	swait.ge [sflag:s16], $0xA00  }
0x6f: {  	[sflag:s16] =	ssyncset.done $0x0  }
0x70: {  	[sflag:s16] =	ssyncadd.s32 $0xFFFFF600  }
0x71: {  	_ =	sfence.sel $0x180000  }
0x72: {  	[bflag:$0x0] =	sbarrier.arrive $0xFFFF  }
0x73: {  	p0 =	sne.s32 s1, $0x0;
	_ =	strace $0x9000004D  }
0x74: {  	s0 =	sadd.s32 @!p0 $0x100000, s0;
	[bflag:$0x2] =	sbarrier.arrive $0xFFFF  }
0x75: {  	[sflag:s0] =	ssyncadd.tile.s32 @!p0 $0x1;
	_ =	shalt  }
.Lfunc_end2:
_tile_overlayer_lowered:
.L_overlay_start_2:
0x76: {  	(tag) =	ssettag $0x2  }
0x77: {  	s0 =	rddreg [dreg:$0x0];
	s2 =	stileid.u32  }
0x78: {  	s1 =	rddreg [dreg:$0x1];
	p0 =	sne.s32 s2, $0x0  }
0x79: {  	s3 =	rddreg [dreg:$0x2];
	[bflag:$0x3] =	sbarrier.arrive $0xFFFF;
	s2 =	simm.s32 @!p0 $0x1C03  }
0x7a: {  	[timem:s3], [sflag:s2] =	dma.local @!p0 [hbm:s0], s1  }
0x7b: {  	s0 =	simm.s32 @!p0 $0x3  }
0x7c: {  	_ =	swait.ge @!p0 [sflag:s0], s1  }
0x7d: {  	s1 =	ssub.s32 @!p0 $0x0, s1;
	[sflag:s0] =	ssyncset.done @!p0 $0x0  }
0x7e: {  	[sflag:s0] =	ssyncadd.s32 @!p0 s1  }
0x7f: {  	[bflag:$0x3] =	sbarrier.arrive $0xFFFF  }
0x80: {  	_ =	shalt  }

// kernel: kernel.8.cloned.1.call-start
scs
__scs_entry_jumppad:
0x0: {  	(pc) =	sbr.rel $0x88, $3  }
0x1: {  	(tag) =	ssettag $0x0;
	lr =	simm.s32 $0x1  }
0x2: {  	[smem:$0x3F98] =	sst lr;
	_ =	strace $0xD0000000  }
0x3: {  	_ = 	snop  }
0x4: {  	_ = 	snop  }
0x5: {  	_ = 	snop  }
0x6: {  	_ = 	snop  }
0x7: {  	_ = 	snop  }
__scs_overlays_trampoline_lowered:
0x8: {  	[smem:$0x3FA7] =	sst s0  }
0x9: {  	[smem:$0x3FA8] =	sst s1  }
0xa: {  	[smem:$0x3FA9] =	sst s2  }
0xb: {  	[smem:$0x3FAA] =	sst s3  }
0xc: {  	[smem:$0x3FAB] =	sst s4  }
0xd: {  	[smem:$0x3FAC] =	sst s5  }
0xe: {  	[smem:$0x3FAD] =	sst s6  }
0xf: {  	[smem:$0x3FAE] =	sst s7  }
0x10: {  	[smem:$0x3FAF] =	sst s8  }
0x11: {  	[smem:$0x3FB0] =	sst s9;
	s0 =	simm.s32 @!p0 $0x0  }
0x12: {  	s1 =	sld [smem:$0x3F96];
	s0 =	simm.s32 @p0 $0x1  }
0x13: {  	[smem:$0x3FB1] =	sst s0;
	s0 =	simm.s32 @!p1 $0x0  }
0x14: {  	s2 =	sld [smem:$0x3F95];
	s0 =	simm.s32 @p1 $0x1  }
0x15: {  	[smem:$0x3FB2] =	sst s0;
	s0 =	simm.s32 @!p2 $0x0  }
0x16: {  	s3 =	sld [smem:$0x3FDB];
	s0 =	simm.s32 @p2 $0x1  }
0x17: {  	s4 =	simm.s32 $0x1BF5;
	[smem:$0x3FB4] =	sst s0  }
0x18: {  	s0 =	sld [smem:$0x3F97];
	_ =	swait.ge [sflag:s4], $0x0  }
0x19: {  	s7 =	sld [smem:$0x3F98]  }
0x1a: {  	s8 =	sadd.s32 $0xFFFFE003, lr  }
0x1b: {  	s9 =	sadd.s32 $0xFFFFFEF7, lr;
	s5 =	simm.s32 $0xFFFFFFFF;
	p2 =	slt.u32 s8, $0xFFFFF086  }
0x1c: {  	p1 =	slt.u32 s9, $0xF7A;
	s5 =	simm.s32 @!p2 $0x0  }
0x1d: {  	s5 =	simm.s32 @p1 $0x1;
	p0 =	seq.s32 s7, s2  }
0x1e: {  	s7 =	smul.u32 @!p0 $0xF7A, s2;
	p2 =	seq.s32 @!p0 s5, $0x0  }
0x1f: {  	s9 =	smul.u32 $0xF7A, s1;
	s8 =	simm.s32 @!p0 $0x1BF5;
	p2 =	por !p2, p0  }
0x20: {  	[sflag:s8] =	ssyncset.s32 @!p0 $0xFFFFF086;
	s6 =	sadd.s32 @!p0 s3, s7;
	s7 =	simm.s32 @!p0 $0x108  }
0x21: {  	s3 =	sadd.s32 s3, s9;
	s6 =	sadd.s32 @!p0 $0x88, s6;
	s7 =	simm.s32 @p2 $0x1082  }
0x22: {  	[simem:s7], [sflag:s8] =	dma.local @!p0 [hbm:s6], $0xF7A  }
0x23: {  	s9 =	sor.u32 $0xD0000000, s2;
	s6 =	simm.s32 $0x108;
	_ =	swait.ge @!p0 [sflag:s8], $0x0  }
0x24: {  	s3 =	sadd.s32 $0x88, s3;
	s6 =	simm.s32 @!p1 $0x1082;
	[sflag:s4] =	ssyncset.s32 $0xFFFFF086  }
0x25: {  	[simem:s6], [sflag:s4] =	dma.local [hbm:s3], $0xF7A  }
0x26: {  	[smem:$0x3F98] =	sst s1;
	(tag) =	ssettag s2;
	_ =	strace s9  }
0x27: {  	s1 =	sld [smem:$0x3FA8]  }
0x28: {  	s2 =	sld [smem:$0x3FA9]  }
0x29: {  	s4 =	sld [smem:$0x3FAB]  }
0x2a: {  	p0 =	seq.s32 s5, $0x0;
	s5 =	sld [smem:$0x3FAC]  }
0x2b: {  	s6 =	sld [smem:$0x3FAD]  }
0x2c: {  	s7 =	sld [smem:$0x3FAE]  }
0x2d: {  	s3 =	simm.s32 $0x108;
	s8 =	sld [smem:$0x3FAF]  }
0x2e: {  	s3 =	simm.s32 @!p0 $0x1082;
	s9 =	sld [smem:$0x3FB0]  }
0x2f: {  	lr =	sadd.s32 s0, s3;
	s0 =	sld [smem:$0x3FA7]  }
0x30: {  	s3 =	sld [smem:$0x3FAA]  }
0x31: {  	[smem:$0x3FB3] =	sst s10  }
0x32: {  	s10 =	sld [smem:$0x3FB1];
	_ =	sdelay $0x3  }
0x33: {  	p0 =	seq.s32 s10, $0x1;
	s10 =	sld [smem:$0x3FB3];
	_ =	sdelay $0x3  }
0x34: {  	[smem:$0x3FB3] =	sst s10  }
0x35: {  	s10 =	sld [smem:$0x3FB2];
	_ =	sdelay $0x3  }
0x36: {  	p1 =	seq.s32 s10, $0x1;
	s10 =	sld [smem:$0x3FB3];
	_ =	sdelay $0x3  }
0x37: {  	[smem:$0x3FB3] =	sst s10  }
0x38: {  	s10 =	sld [smem:$0x3FB4]  }
0x39: {  	_ = 	snop;
	(pc) =	sbr.ind lr, $3  }
0x3a: {  	_ = 	snop  }
0x3b: {  	_ = 	snop  }
0x3c: {  	p2 =	seq.s32 s10, $0x1;
	s10 =	sld [smem:$0x3FB3]  }
0x3d: {  	_ =	shalt  }
0x3e: {  	_ =	shalt  }
0x3f: {  	_ =	shalt  }
0x40: {  	_ =	shalt  }
0x41: {  	_ =	shalt  }
0x42: {  	_ =	shalt  }
0x43: {  	_ =	shalt  }
0x44: {  	_ =	shalt  }
0x45: {  	_ =	shalt  }
0x46: {  	_ =	shalt  }
0x47: {  	_ =	shalt  }
0x48: {  	_ =	shalt  }
0x49: {  	_ =	shalt  }
0x4a: {  	_ =	shalt  }
0x4b: {  	_ =	shalt  }
0x4c: {  	_ =	shalt  }
0x4d: {  	_ =	shalt  }
0x4e: {  	_ =	shalt  }
0x4f: {  	_ =	shalt  }
0x50: {  	_ =	shalt  }
0x51: {  	_ =	shalt  }
0x52: {  	_ =	shalt  }
0x53: {  	_ =	shalt  }
0x54: {  	_ =	shalt  }
0x55: {  	_ =	shalt  }
0x56: {  	_ =	shalt  }
0x57: {  	_ =	shalt  }
0x58: {  	_ =	shalt  }
0x59: {  	_ =	shalt  }
0x5a: {  	_ =	shalt  }
0x5b: {  	_ =	shalt  }
0x5c: {  	_ =	shalt  }
0x5d: {  	_ =	shalt  }
0x5e: {  	_ =	shalt  }
0x5f: {  	_ =	shalt  }
0x60: {  	_ =	shalt  }
0x61: {  	_ =	shalt  }
0x62: {  	_ =	shalt  }
0x63: {  	_ =	shalt  }
0x64: {  	_ =	shalt  }
0x65: {  	_ =	shalt  }
0x66: {  	_ =	shalt  }
0x67: {  	_ =	shalt  }
0x68: {  	_ =	shalt  }
0x69: {  	_ =	shalt  }
0x6a: {  	_ =	shalt  }
0x6b: {  	_ =	shalt  }
0x6c: {  	_ =	shalt  }
0x6d: {  	_ =	shalt  }
0x6e: {  	_ =	shalt  }
0x6f: {  	_ =	shalt  }
0x70: {  	_ =	shalt  }
0x71: {  	_ =	shalt  }
0x72: {  	_ =	shalt  }
0x73: {  	_ =	shalt  }
0x74: {  	_ =	shalt  }
0x75: {  	_ =	shalt  }
0x76: {  	_ =	shalt  }
0x77: {  	_ =	shalt  }
0x78: {  	_ =	shalt  }
0x79: {  	_ =	shalt  }
0x7a: {  	_ =	shalt  }
0x7b: {  	_ =	shalt  }
0x7c: {  	_ =	shalt  }
0x7d: {  	_ =	shalt  }
0x7e: {  	_ =	shalt  }
0x7f: {  	_ =	shalt  }
0x80: {  	_ =	shalt  }
0x81: {  	_ =	shalt  }
0x82: {  	_ =	shalt  }
0x83: {  	_ =	shalt  }
0x84: {  	_ =	shalt  }
0x85: {  	_ =	shalt  }
0x86: {  	_ =	shalt  }
0x87: {  	_ =	shalt  }
.Lfunc_end0:
.L_simem_size_0:
called_computation_lowered:
.L_overlay_start_0:
0x88: {  	s2 =	sld [smem:$0x3FD9]  }
0x89: {  	s3 =	sld [smem:$0x3FFE];
	_ =	sdelay $0x1  }
0x8a: {  	s1 =	srdreg.scid  }
0x8b: {  	s0 =	sand.u32 $0x1, s1  }
0x8c: {  	s16 =	sshll.u32 s0, $0xA;
	s2 =	sadd.s32 s3, s2  }
0x8d: {  	s2 =	sadd.s32 s2, s16  }
0x8e: {  	[smem:$0x3FBF] =	sst s2  }
0x8f: {  	_ = 	snop  }
0x90: {  	(tm) =	ssettm $0x1  }
0x91: {  	s17 =	sld [smem:$0x3FFB];
	_ =	sdelay $0x3  }
0x92: {  	_ =	strace s17  }
0x93: {  	s2 =	sld [smem:$0x3FFC];
	_ =	sdelay $0x3  }
0x94: {  	_ =	strace s2  }
0x95: {  	s2 =	sld [smem:$0x3FFD];
	_ =	sdelay $0x3  }
0x96: {  	_ =	strace s2  }
0x97: {  	_ =	strace $0x8FFFFFFF  }
0x98: {  	s18 =	sld [smem:$0x3FDB];
	_ =	sdelay $0x1  }
0x99: {  	s19 =	simm.s32 $_scs_section_size  }
0x9a: {  	s4 =	simm.s32 $_size__tile_overlayer_lowered;
	s5 =	simm.s32 $_tile_overlayer_lowered  }
0x9b: {  	s22 =	simm.s32 $0x1BFF;
	s21 =	sshll.u32 s5, $0x1;
	s2 =	sadd.s32 s19, s18  }
0x9c: {  	s6 =	simm.s32 $0x0;
	s20 =	sshll.u32 s4, $0x1;
	s4 =	sadd.s32 s21, s2  }
0x9d: {  	[timem:s6], [sflag:s22] =	dma.local [hbm:s4], s20  }
0x9e: {  	_ =	swait.ge [sflag:s22], s20  }
0x9f: {  	s3 =	ssub.s32 $0x0, s20;
	[sflag:s22] =	ssyncset.done $0x0  }
0xa0: {  	[sflag:s22] =	ssyncadd.s32 s3;
	_ =	sdelay $0x1  }
0xa1: {  	s23 =	simm.s32 $0x1B8B  }
0xa2: {  	_ =	swait.ge [sflag:s23], $0x1  }
0xa3: {  	[sflag:s23] =	ssyncset.done $0x0  }
0xa4: {  	s25 =	simm.s32 $0x1B8E;
	s24 =	sld [smem:$0x3FFE];
	[sflag:s23] =	ssyncadd.s32 $0xFFFFFFFF  }
0xa5: {  	s26 =	simm.s32 $execute0_lowered;
	[smem:$0x3FD2] =	sst s25  }
0xa6: {  	s4 =	sshll.u32 s26, $0x1;
	_ =	strace $0x80000046;
	[dreg:$0x1] =	wrdreg $0xFFFFFFFF  }
0xa7: {  	s28 =	simm.s32 $_size_execute0_lowered;
	s2 =	sadd.s32 s2, s4;
	[dreg:$0x0] =	wrdreg $0x0  }
0xa8: {  	s4 =	sshll.u32 s28, $0x1;
	[dreg:$0x2] =	wrdreg s2  }
0xa9: {  	[dreg:$0x3] =	wrdreg s4  }
0xaa: {  	[dreg:$0x4] =	wrdreg $0xC0  }
0xab: {  	_ =	task [dreg:s6], $0x5FFFF  }
0xac: {  	[dreg:$0x1] =	wrdreg $0xFFFFFFFF  }
0xad: {  	[dreg:$0x0] =	wrdreg $0x60  }
0xae: {  	[dreg:$0x2] =	wrdreg s24  }
0xaf: {  	[dreg:$0x3] =	wrdreg $0x17000  }
0xb0: {  	[dreg:$0x4] =	wrdreg $0x9  }
0xb1: {  	_ =	task.clear_ibuf [dreg:s6], $0x5FFFF;
	_ =	strace $0x90000046  }
0xb2: {  	s29 =	simm.s32 $0x9;
	_ =	strace $0x80000048  }
0xb3: {  	_ =	swait.ge [sflag:s29], $0x1  }
0xb4: {  	[sflag:s29] =	ssyncadd.s32 $0xFFFFFFFF  }
0xb5: {  	_ =	strace $0x90000048  }
0xb6: {  	_ =	sfence  }
0xb7: {  	s30 =	sld [smem:$0x0];
	_ =	sdelay $0x2  }
0xb8: {  	s31 =	sshll.u32 s1, $0xD;
	s1 =	sshrl.u32 s1, $0x2  }
0xb9: {  	s3 =	sand.u32 $0x4000, s31;
	s1 =	sadd.s32 s1, s30  }
0xba: {  	s0 =	sor.u32 s3, s0;
	s1 =	sshll.u32 s1, $0x11  }
0xbb: {  	s0 =	sor.u32 s1, s0  }
0xbc: {  	s0 =	sadd.s32 $0x8F2B, s0  }
0xbd: {  	[sflag:s0] =	ssyncadd.remote.s32 $0x1  }
0xbe: {  	_ =	sfence.sel $0xFFFF  }
0xbf: {  	[dreg:$0x0] =	wrdreg $0xFFFFFFFF;
	(pc) =	sbr.abs _section_cstart, $3  }
0xc0: {  	[dreg:$0x1] =	wrdreg $0xFFFFFFFF  }
0xc1: {  	_ =	task.clear_ibuf [dreg:s6], $0x2FFFF;
	_ =	strace $0x9FFFFFFF  }
0xc2: {  	(tm) =	ssettm $0x7FFFFFFF  }
0xc3: {  	_ =	shalt  }
tec
execute0_lowered:
.L_overlay_start_1:
0x0: {  	(tag) =	ssettag $0x1  }
0x1: {  	s4 =	rddreg [dreg:$0x0]  }
0x2: {  	s2 =	rddreg [dreg:$0x1];
	s3 =	srdreg.scid  }
0x3: {  	s1 =	stileid.u32;
	s0 =	rddreg [dreg:$0x2];
	s10 =	simm.s32 $0x7D  }
0x4: {  	s11 =	simm.s32 $0x1400;
	s14 =	simm.s32 $0x0;
	s5 =	sand.u32 $0x1, s3  }
0x5: {  	s6 =	smul.u32 $0x280, s1;
	s3 =	simm.s32 $0x0;
	s7 =	sshll.u32 s1, $0x1  }
0x6: {  	s12 =	sshll.u32 s1, $0x6;
	s8 =	smul.u32 $0x2800, s5;
	[smem:$0x7FF] =	sst s3  }
0x7: {  	s7 =	sor.u32 s5, s7;
	s5 =	ssub.s32 $0x2, s5;
	s12 =	sor.u32 $0x1C01, s12  }
0x8: {  	s7 =	smul.u32 $0x280, s7;
	s9 =	sshrl.u32 s5, $0x1;
	s8 =	sadd.s32 s6, s8  }
0x9: {  	_ =	strace $0x80000047;
	s9 =	ssub.s32 s5, s9;
	s8 =	sshrl.u32 s8, $0x3  }
0xa: {  	s7 =	sadd.s32 s7, s4;
	s8 =	sadd.s32 s8, s4;
	s4 =	sadd.s32 s6, s2  }
0xb: {  	s5 =	sadd.s32 $0x1C00, s7;
	s7 =	smax.u32 s9, $0x1;
	s9 =	simm.s32 $0x1  }
0xc: {  	v0 =	vimm.f32 $0.0e+00;
	v1 =	vimm.f32 $1.000000000e+00;
	s6 =	sadd.s32 $0x6C00, s8;
	s8 =	simm.s32 $0x1480;
	s13 =	sshrl.u32 s4, $0x3  }
.LBB2_1:
0xd: {  	[tilespmem:$0x1480] =	vst v0  }
0xe: {  	[tilespmem:$0x1490] =	vst v0  }
0xf: {  	[tilespmem:$0x14A0] =	vst v0  }
0x10: {  	[tilespmem:$0x14B0] =	vst v0  }
0x11: {  	[tilespmem:$0x14C0] =	vst v0  }
0x12: {  	[tilespmem:$0x14D0] =	vst v0  }
0x13: {  	[tilespmem:$0x14E0] =	vst v0  }
0x14: {  	[tilespmem:$0x14F0] =	vst v0  }
0x15: {  	[tilespmem:$0x1500] =	vst v0  }
0x16: {  	[tilespmem:$0x1510] =	vst v0  }
0x17: {  	[tilespmem:$0x1520] =	vst v0  }
0x18: {  	[tilespmem:$0x1530] =	vst v0  }
0x19: {  	[tilespmem:$0x1540] =	vst v0  }
0x1a: {  	[tilespmem:$0x1550] =	vst v0  }
0x1b: {  	[tilespmem:$0x1560] =	vst v0  }
0x1c: {  	[tilespmem:$0x1570] =	vst v0  }
0x1d: {  	[tilespmem:$0x1580] =	vst v0  }
0x1e: {  	[tilespmem:$0x1590] =	vst v0  }
0x1f: {  	[tilespmem:$0x15A0] =	vst v0  }
0x20: {  	[tilespmem:$0x15B0] =	vst v0  }
0x21: {  	[tilespmem:$0x15C0] =	vst v0  }
0x22: {  	[tilespmem:$0x15D0] =	vst v0  }
0x23: {  	[tilespmem:$0x15E0] =	vst v0  }
0x24: {  	[tilespmem:$0x15F0] =	vst v0  }
0x25: {  	[tilespmem:$0x1600] =	vst v0  }
0x26: {  	[tilespmem:$0x1610] =	vst v0  }
0x27: {  	[tilespmem:$0x1620] =	vst v0  }
0x28: {  	[tilespmem:$0x1630] =	vst v0  }
0x29: {  	[tilespmem:$0x1640] =	vst v0  }
0x2a: {  	[tilespmem:$0x1650] =	vst v0  }
0x2b: {  	[tilespmem:$0x1660] =	vst v0  }
0x2c: {  	[tilespmem:$0x1670] =	vst v0  }
0x2d: {  	[tilespmem:$0x1680] =	vst v0  }
0x2e: {  	[tilespmem:$0x1690] =	vst v0  }
0x2f: {  	[tilespmem:$0x16A0] =	vst v0  }
0x30: {  	[tilespmem:$0x16B0] =	vst v0  }
0x31: {  	[tilespmem:$0x16C0] =	vst v0  }
0x32: {  	[tilespmem:$0x16D0] =	vst v0  }
0x33: {  	[tilespmem:$0x16E0] =	vst v0  }
0x34: {  	[tilespmem:$0x16F0] =	vst v0  }
0x35: {  	[tilespmem:$0x1400] =	vst v1  }
0x36: {  	[tilespmem:$0x1410] =	vst v1  }
0x37: {  	[tilespmem:$0x1420] =	vst v1  }
0x38: {  	[tilespmem:$0x1430] =	vst v1  }
0x39: {  	[tilespmem:$0x1440] =	vst v1  }
0x3a: {  	[tilespmem:$0x1450] =	vst v1  }
0x3b: {  	[tilespmem:$0x1460] =	vst v1  }
0x3c: {  	[tilespmem:$0x1470] =	vst v1  }
0x3d: {  	[spmem:s4] =	stream.linear.scatter [tilespmem:s8], [sflag:$0x1], $0x280, $0x38;
	[tilespmem:$0x1980] =	vst v63  }
0x3e: {  	_ =	swait.ge [sflag:s9], $0x280  }
0x3f: {  	[sflag:s9] =	ssyncset.done $0x0  }
0x40: {  	[sflag:s9] =	ssyncadd.s32 $0xFFFFFD80  }
0x41: {  	[bflag:$0x0] =	sbarrier.arrive $0xFFFF  }
0x42: {  	[tilespmem:s3], [sflag:$0x1] =	stream.linear.gather [hbm4b:s5+s3], $0x1400, $0x38;
	[tilespmem:$0x1980] =	vst v63  }
0x43: {  	_ =	swait.ge [sflag:s9], $0x1400  }
0x44: {  	[sflag:s9] =	ssyncset.done $0x0  }
0x45: {  	s15 =	simm.s32 $0x0;
	[sflag:s9] =	ssyncadd.s32 $0xFFFFEC00  }
0x46: {  	[spmem:s2] =	stream.indirect.scatter.add.f32 [tilespmem:s11], [sflag:$0x1], $0x1, s15, s10, $0xb8;
	[tilespmem:$0x1980] =	vst v63  }
0x47: {  	_ =	swait.ge [sflag:s9], $0x7D  }
0x48: {  	s15 =	simm.s32 $0x200;
	[sflag:s9] =	ssyncset.done $0x0  }
.LBB2_2:
0x49: {  	s16 =	sshra.s32 s15, $0x2;
	[sflag:s9] =	ssyncadd.s32 $0xFFFFFF83;
	p0 =	sne.s32 s15, $0x4E00  }
0x4a: {  	[spmem:s2] =	stream.indirect.scatter.add.f32 [tilespmem:s11], [sflag:$0x1], $0x1, s16, s10, $0xb8;
	[tilespmem:$0x1980] =	vst v63  }
.Ltmp0:
0x4b: {  	_ = 	snop;
	(pc) =	sbr.rel @p0 .LBB2_2-.Ltmp0, $4  }
0x4c: {  	_ = 	snop  }
0x4d: {  	s15 =	sadd.s32 $0x200, s15  }
0x4e: {  	_ =	swait.ge [sflag:s9], $0x7D  }
0x4f: {  	[sflag:s9] =	ssyncset.done $0x0  }
0x50: {  	s14 =	sadd.s32 $0x1, s14  }
0x51: {  	[sflag:s9] =	ssyncadd.s32 $0xFFFFFF83;
	p0 =	sne.s32 s14, s7  }
.Ltmp1:
0x52: {  	[bflag:$0x0] =	sbarrier.arrive $0xFFFF;
	(pc) =	sbr.rel @p0 .LBB2_1-.Ltmp1, $4  }
0x53: {  	[hbm:s6], [sflag:s12] =	dma.local [spmem:s13], $0x50  }
0x54: {  	_ =	swait.ge [sflag:s9], $0x50  }
0x55: {  	[sflag:s9] =	ssyncset.done $0x0  }
0x56: {  	[sflag:s9] =	ssyncadd.s32 $0xFFFFFFB0  }
0x57: {  	_ =	sfence.sel $0x180000  }
0x58: {  	[bflag:$0x0] =	sbarrier.arrive $0xFFFF  }
0x59: {  	p0 =	sne.s32 s1, $0x0;
	_ =	strace $0x90000047  }
0x5a: {  	s0 =	sadd.s32 @!p0 $0x100000, s0;
	[bflag:$0x2] =	sbarrier.arrive $0xFFFF  }
0x5b: {  	[sflag:s0] =	ssyncadd.tile.s32 @!p0 $0x1;
	_ =	shalt  }
.Lfunc_end2:
_tile_overlayer_lowered:
.L_overlay_start_2:
0x5c: {  	(tag) =	ssettag $0x2  }
0x5d: {  	s0 =	rddreg [dreg:$0x0];
	s2 =	stileid.u32  }
0x5e: {  	s1 =	rddreg [dreg:$0x1];
	p0 =	sne.s32 s2, $0x0  }
0x5f: {  	s3 =	rddreg [dreg:$0x2];
	[bflag:$0x3] =	sbarrier.arrive $0xFFFF;
	s2 =	simm.s32 @!p0 $0x1C01  }
0x60: {  	[timem:s3], [sflag:s2] =	dma.local @!p0 [hbm:s0], s1  }
0x61: {  	s0 =	simm.s32 @!p0 $0x1  }
0x62: {  	_ =	swait.ge @!p0 [sflag:s0], s1  }
0x63: {  	s1 =	ssub.s32 @!p0 $0x0, s1;
	[sflag:s0] =	ssyncset.done @!p0 $0x0  }
0x64: {  	[sflag:s0] =	ssyncadd.s32 @!p0 s1  }
0x65: {  	[bflag:$0x3] =	sbarrier.arrive $0xFFFF  }
0x66: {  	_ =	shalt  }

</sc_bundles>
